<compile_context>
chip_gen: v7x
topology: tpu7x:2x2x1
jax: 0.10.2.dev20260603
libtpu: 0.0.44.dev20260713+nightly
codegen_flags: <defaults>
</compile_context>

<pallas_src>
import functools

import jax
import jax.numpy as jnp
from jax import lax
from jax.experimental import pallas as pl
from jax.experimental.pallas import tpu as pltpu
from jax.experimental.pallas import tpu_sc as plsc

NC = 2
NS = 16
NW = NC * NS
EB = 128


def _sc_mesh():
    return plsc.VectorSubcoreMesh(core_axis_name="c", subcore_axis_name="s")


def _deg_kernel(n_pad, iters, iters_pad, d):
    rt = n_pad // NS
    fire = 8
    rounds = iters // fire
    tail = iters - rounds * fire

    @functools.partial(
        pl.kernel,
        out_type=jax.ShapeDtypeStruct((NC, n_pad, d), jnp.float32),
        mesh=_sc_mesh(),
        scratch_types=[
            pltpu.VMEM((iters_pad, EB), jnp.int32),
            pltpu.VMEM((EB, d), jnp.float32),
            pltpu.SemaphoreType.DMA,
            pltpu.VMEM_SHARED((n_pad, d), jnp.float32),
        ],
    )
    def k(dst_hbm, ones_hbm, zeros_hbm, out_hbm, idx_v, ones_v, sem, acc_s):
        cid = lax.axis_index("c")
        sid = lax.axis_index("s")
        wid = sid * NC + cid
        pltpu.sync_copy(dst_hbm.at[wid], idx_v)
        pltpu.sync_copy(ones_hbm, ones_v)
        pltpu.sync_copy(zeros_hbm, acc_s.at[pl.ds(sid * rt, rt)])
        plsc.subcore_barrier()

        def body(r, carry):
            pltpu.sync_copy(ones_v, acc_s.at[idx_v.at[r]], add=True)
            return carry

        lax.fori_loop(0, iters, body, 0)
        plsc.subcore_barrier()
        pltpu.sync_copy(acc_s.at[pl.ds(sid * rt, rt)],
                        out_hbm.at[cid, pl.ds(sid * rt, rt)])

    return k


def _agg_kernel(n_pad, iters0, iters1, iters_pad, d):
    rt = n_pad // NS

    @functools.partial(
        pl.kernel,
        out_type=jax.ShapeDtypeStruct((NC, n_pad, d), jnp.float32),
        mesh=_sc_mesh(),
        scratch_types=[
            pltpu.VMEM((EB,), jnp.int32),
            pltpu.VMEM((EB,), jnp.int32),
            pltpu.VMEM((iters_pad, EB), jnp.int32),
            pltpu.VMEM((EB, d), jnp.float32),
            pltpu.VMEM((EB, d), jnp.float32),
            pltpu.VMEM_SHARED((n_pad, d), jnp.float32),
            pltpu.SemaphoreType.DMA,
            pltpu.SemaphoreType.DMA,
            pltpu.SemaphoreType.DMA,
            pltpu.SemaphoreType.DMA,
        ],
    )
    def k(xs_hbm, src_hbm, dst_hbm, zeros_hbm, out_hbm,
          src_a, src_b, dst_v, rows_a, rows_b, acc_s,
          sem_a, sem_b, sem_ia, sem_ib):
        cid = lax.axis_index("c")
        sid = lax.axis_index("s")
        wid = sid * NC + cid
        iters_w = jnp.where(cid == 0, iters0, iters1)
        pairs_w = (iters_w - 1) // 2
        pltpu.sync_copy(dst_hbm.at[wid], dst_v)
        pltpu.sync_copy(src_hbm.at[wid, 0], src_a)
        pltpu.sync_copy(zeros_hbm, acc_s.at[pl.ds(sid * rt, rt)])
        pltpu.async_copy(xs_hbm.at[src_a], rows_a, sem_a)
        pltpu.async_copy(src_hbm.at[wid, 1], src_b, sem_ib)
        plsc.subcore_barrier()

        def body(g, carry):
            i0 = 2 * g
            pltpu.make_async_copy(xs_hbm.at[src_a], rows_a, sem_a).wait()
            pltpu.async_copy(src_hbm.at[wid, i0 + 2], src_a, sem_ia)
            pltpu.make_async_copy(src_hbm.at[wid, i0 + 1], src_b, sem_ib).wait()
            pltpu.async_copy(xs_hbm.at[src_b], rows_b, sem_b)
            pltpu.sync_copy(rows_a, acc_s.at[dst_v.at[i0]], add=True)
            pltpu.make_async_copy(xs_hbm.at[src_b], rows_b, sem_b).wait()
            pltpu.async_copy(src_hbm.at[wid, i0 + 3], src_b, sem_ib)
            pltpu.make_async_copy(src_hbm.at[wid, i0 + 2], src_a, sem_ia).wait()
            pltpu.async_copy(xs_hbm.at[src_a], rows_a, sem_a)
            pltpu.sync_copy(rows_b, acc_s.at[dst_v.at[i0 + 1]], add=True)
            return carry

        lax.fori_loop(0, pairs_w, body, 0)
        last = iters_w - 1
        pltpu.make_async_copy(xs_hbm.at[src_a], rows_a, sem_a).wait()
        pltpu.sync_copy(rows_a, acc_s.at[dst_v.at[last]], add=True)
        pltpu.make_async_copy(src_hbm.at[wid, 0], src_b, sem_ib).wait()

        plsc.subcore_barrier()
        pltpu.sync_copy(acc_s.at[pl.ds(sid * rt, rt)],
                        out_hbm.at[cid, pl.ds(sid * rt, rt)])

    return k


def _dinv_from(degp_ref):
    deg = degp_ref[0, :, 0] + degp_ref[1, :, 0] + 1.0
    return lax.rsqrt(jnp.maximum(deg, 1e-12))


def _xs_body(x_ref, w_ref, degp_ref, o_ref):
    dinv = _dinv_from(degp_ref)
    xw = jnp.dot(x_ref[...], w_ref[...], preferred_element_type=jnp.float32)
    o_ref[...] = xw * dinv[:, None]


def _h_stats_body(nblk, n, aggp_ref, xs_ref, degp_ref, b1_ref,
                  h_ref, stats_ref, acc_ref):
    i = pl.program_id(0)
    dinv = _dinv_from(degp_ref)
    h = (aggp_ref[0] + aggp_ref[1] + xs_ref[...]) * dinv[:, None] + b1_ref[...]
    h_ref[...] = h

    @pl.when(i == 0)
    def _():
        acc_ref[...] = jnp.zeros_like(acc_ref)

    acc_ref[0:1] += jnp.sum(h, axis=0, keepdims=True)
    acc_ref[1:2] += jnp.sum(h * h, axis=0, keepdims=True)

    @pl.when(i == nblk - 1)
    def _():
        mean = acc_ref[0:1] / n
        var = acc_ref[1:2] / n - mean * mean
        stats_ref[0:1] = mean
        stats_ref[1:2] = lax.rsqrt(var + 1e-5)


def _mlp_body(h_ref, stats_ref, g_ref, be_ref, a1_ref, wp1_ref, bp1_ref,
              ap_ref, wp2_ref, bp2_ref, o_ref):
    hn = (h_ref[...] - stats_ref[0:1]) * stats_ref[1:2] * g_ref[...] + be_ref[...]
    a1 = a1_ref[0, 0]
    p = jnp.where(hn >= 0, hn, a1 * hn)
    q1 = jnp.dot(p, wp1_ref[...], preferred_element_type=jnp.float32) + bp1_ref[...]
    ap = ap_ref[0, 0]
    q1 = jnp.where(q1 >= 0, q1, ap * q1)
    o_ref[...] = jnp.dot(q1, wp2_ref[...], preferred_element_type=jnp.float32) + bp2_ref[...]


def kernel(x, edge_index, W1, b1, gamma1, beta1, a1, Wp1, bp1, ap, Wp2, bp2):
    n, d = x.shape
    e = edge_index.shape[1]
    d_pred = Wp1.shape[1]

    n_pad = -(-(n + 1) // (NS * 8)) * (NS * 8)
    rt = n_pad // NS
    nb = -(-e // EB)

    iters_d = -(-nb // NW)
    if iters_d % 2 == 0:
        iters_d += 1
    itp_d = -(-iters_d // 8) * 8
    ed_pad = iters_d * NW * EB
    dst_deg = jnp.pad(
        jnp.concatenate([edge_index[1], jnp.full((ed_pad - e,), n, jnp.int32)]
                        ).reshape(NW, iters_d, EB),
        ((0, 0), (0, itp_d - iters_d), (0, 0)), constant_values=n)

    S = -(-nb // NS)
    if S % 2 == 1:
        S += 1
    iters0 = int(0.765 * S) | 1
    iters1 = S - iters0
    itp_a = -(-(max(iters0, iters1) + 1) // 8) * 8
    ea_pad = S * NS * EB

    def plane(v, fill):
        flat = jnp.concatenate(
            [v, jnp.full((ea_pad - e,), fill, jnp.int32)])
        c0 = flat[:NS * iters0 * EB].reshape(NS, iters0, EB)
        c1 = flat[NS * iters0 * EB:].reshape(NS, iters1, EB)
        c0 = jnp.pad(c0, ((0, 0), (0, itp_a - iters0), (0, 0)),
                     constant_values=fill)
        c1 = jnp.pad(c1, ((0, 0), (0, itp_a - iters1), (0, 0)),
                     constant_values=fill)
        return jnp.stack([c0, c1], axis=1).reshape(NW, itp_a, EB)

    src_agg = plane(edge_index[0], 0)
    dst_agg = plane(edge_index[1], n)

    ones_rows = jnp.ones((EB, d), jnp.float32)
    zeros_rows = jnp.zeros((rt, d), jnp.float32)

    degp = _deg_kernel(n_pad, iters_d, itp_d, d)(dst_deg, ones_rows, zeros_rows)

    nblk = 5 if n % 5 == 0 else 1
    bn = n // nblk
    grid = (nblk,)

    xs = pl.pallas_call(
        _xs_body,
        grid=grid,
        in_specs=[
            pl.BlockSpec((bn, d), lambda i: (i, 0)),
            pl.BlockSpec((d, d), lambda i: (0, 0)),
            pl.BlockSpec((NC, bn, d), lambda i: (0, i, 0)),
        ],
        out_specs=pl.BlockSpec((bn, d), lambda i: (i, 0)),
        out_shape=jax.ShapeDtypeStruct((n, d), jnp.float32),
    )(x, W1, degp)

    aggp = _agg_kernel(n_pad, iters0, iters1, itp_a, d)(xs, src_agg, dst_agg, zeros_rows)

    h, stats = pl.pallas_call(
        functools.partial(_h_stats_body, nblk, float(n)),
        grid=grid,
        in_specs=[
            pl.BlockSpec((NC, bn, d), lambda i: (0, i, 0)),
            pl.BlockSpec((bn, d), lambda i: (i, 0)),
            pl.BlockSpec((NC, bn, d), lambda i: (0, i, 0)),
            pl.BlockSpec((1, d), lambda i: (0, 0)),
        ],
        out_specs=[
            pl.BlockSpec((bn, d), lambda i: (i, 0)),
            pl.BlockSpec((2, d), lambda i: (0, 0)),
        ],
        out_shape=[
            jax.ShapeDtypeStruct((n, d), jnp.float32),
            jax.ShapeDtypeStruct((2, d), jnp.float32),
        ],
        scratch_shapes=[pltpu.VMEM((2, d), jnp.float32)],
    )(aggp, xs, degp, b1.reshape(1, d))

    q = pl.pallas_call(
        _mlp_body,
        grid=grid,
        in_specs=[
            pl.BlockSpec((bn, d), lambda i: (i, 0)),
            pl.BlockSpec((2, d), lambda i: (0, 0)),
            pl.BlockSpec((1, d), lambda i: (0, 0)),
            pl.BlockSpec((1, d), lambda i: (0, 0)),
            pl.BlockSpec((1, 1), lambda i: (0, 0)),
            pl.BlockSpec((d, d_pred), lambda i: (0, 0)),
            pl.BlockSpec((1, d_pred), lambda i: (0, 0)),
            pl.BlockSpec((1, 1), lambda i: (0, 0)),
            pl.BlockSpec((d_pred, d), lambda i: (0, 0)),
            pl.BlockSpec((1, d), lambda i: (0, 0)),
        ],
        out_specs=pl.BlockSpec((bn, d), lambda i: (i, 0)),
        out_shape=jax.ShapeDtypeStruct((n, d), jnp.float32),
    )(h, stats, gamma1.reshape(1, d), beta1.reshape(1, d),
      a1.reshape(1, 1), Wp1, bp1.reshape(1, d_pred), ap.reshape(1, 1),
      Wp2, bp2.reshape(1, d))

    return q

# --- scband reference (transcript-rebuilt; emitter-appended) ---
"""Pipeline reference for scband-bgrl-68229850464265 (READ-ONLY COPY).

The authoritative reference and input builder live on the scoring server;
editing this copy changes nothing except your own understanding.
"""

import jax, jax.numpy as jnp
import numpy as np

N = 10000
E = 320000
D_IN = 128
D_HID = 128
D_PRED = 512


def setup_inputs(seed: int = 0) -> dict:
    key = jax.random.key(seed)
    ks = jax.random.split(key, 8)
    x = jax.random.normal(ks[0], (N, D_IN), dtype=jnp.float32)
    edge_index = jax.random.randint(ks[1], (2, E), 0, N, dtype=jnp.int32)
    W1 = jax.random.normal(ks[2], (D_IN, D_HID), dtype=jnp.float32) * 0.05
    b1 = jnp.zeros((D_HID,), dtype=jnp.float32)
    gamma1 = jnp.ones((D_HID,), dtype=jnp.float32)
    beta1 = jnp.zeros((D_HID,), dtype=jnp.float32)
    a1 = jnp.full((1,), 0.25, dtype=jnp.float32)
    Wp1 = jax.random.normal(ks[3], (D_HID, D_PRED), dtype=jnp.float32) * 0.05
    bp1 = jnp.zeros((D_PRED,), dtype=jnp.float32)
    ap = jnp.full((1,), 0.25, dtype=jnp.float32)
    Wp2 = jax.random.normal(ks[4], (D_PRED, D_HID), dtype=jnp.float32) * 0.05
    bp2 = jnp.zeros((D_HID,), dtype=jnp.float32)
    return {"x": x, "edge_index": edge_index, "W1": W1, "b1": b1,
            "gamma1": gamma1, "beta1": beta1, "a1": a1,
            "Wp1": Wp1, "bp1": bp1, "ap": ap, "Wp2": Wp2, "bp2": bp2}


def _gcn_conv(x, edge_index, W, b):
    # GCNConv: D^{-1/2} (A + I) D^{-1/2} X W + b
    n = x.shape[0]
    loop = jnp.arange(n, dtype=edge_index.dtype)
    src = jnp.concatenate([edge_index[0], loop])
    dst = jnp.concatenate([edge_index[1], loop])
    deg = jnp.zeros((n,), dtype=x.dtype).at[dst].add(1.0)
    dinv = jax.lax.rsqrt(jnp.maximum(deg, 1e-12))
    xw = x @ W
    coef = (dinv[src] * dinv[dst])[:, None]
    out = jnp.zeros_like(xw).at[dst].add(xw[src] * coef)
    return out + b


def _batchnorm(h, gamma, beta, eps=1e-5):
    # BatchNorm1d over nodes, training-mode batch statistics (biased var)
    mean = jnp.mean(h, axis=0)
    var = jnp.var(h, axis=0)
    return (h - mean) * jax.lax.rsqrt(var + eps) * gamma + beta


def _prelu(h, a):
    return jnp.where(h >= 0, h, a * h)


def reference(x, edge_index, W1, b1, gamma1, beta1, a1, Wp1, bp1, ap, Wp2, bp2):
    # Online branch of BGRL.model_train: encoder (GCNConv -> BatchNorm -> PReLU) then predictor MLP
    h = _gcn_conv(x, edge_index, W1, b1)
    h = _batchnorm(h, gamma1, beta1)
    h = _prelu(h, a1)
    q = _prelu(h @ Wp1 + bp1, ap)
    q = q @ Wp2 + bp2
    return q

if __name__ == "__main__":
    import jax
    _d = setup_inputs()
    print(jax.jit(kernel)(*tuple(_d.values())))

</pallas_src>

<mosaic_0001>
#map = affine_map<(d0, d1) -> (0, 0, 0)>
#map1 = affine_map<(d0, d1) -> (0, 0)>
module attributes {stable_mosaic.version = 14 : i64} {
  func.func @k(%arg0: i32, %arg1: i32, %arg2: memref<32x80x128xi32, #tpu.memory_space<hbm>>, %arg3: memref<128x128xf32, #tpu.memory_space<hbm>>, %arg4: memref<632x128xf32, #tpu.memory_space<hbm>>, %arg5: memref<2x10112x128xf32, #tpu.memory_space<hbm>>, %arg6: memref<80x128xi32, #tpu.memory_space<vmem>>, %arg7: memref<128x128xf32, #tpu.memory_space<vmem>>, %arg8: memref<!tpu.dma_semaphore, #tpu.memory_space<semaphore_mem>>, %arg9: memref<10112x128xf32, #tpu.memory_space<vmem_shared>>) attributes {dimension_semantics = [#tpu.dimension_semantics<core_parallel>, #tpu.dimension_semantics<subcore_parallel>], iteration_bounds = array<i64: 2, 16>, scalar_prefetch = 0 : i64, scratch_operands = 4 : i64, tpu.core_type = #tpu.core_type<sc_vector_subcore>, window_params = [{transform_indices = #map}, {transform_indices = #map1}, {transform_indices = #map1}, {transform_indices = #map}]} {
    %mul3A = arith.constant 2 : i32
    %mul3A_0 = arith.muli %arg1, %mul3A : i32
    %add3A = arith.addi %mul3A_0, %arg0 : i32
    "tpu.region"() ({
      %run_scoped3A = tpu.sem_alloc : memref<!tpu.dma_semaphore, #tpu.memory_space<semaphore_mem>>
      %dma_start3A = arith.constant 0 : i32
      %dma_start3A_13 = arith.constant 0 : i32
      %dma_start3A_14 = tpu.memref_slice %arg2[%add3A, %dma_start3A, %dma_start3A_13] : memref<32x80x128xi32, #tpu.memory_space<hbm>> -> memref<1x80x128xi32, #tpu.memory_space<hbm>>
      %dma_start3A_15 = tpu.memref_squeeze %dma_start3A_14 : memref<1x80x128xi32, #tpu.memory_space<hbm>> -> memref<80x128xi32, #tpu.memory_space<hbm>>
      %dma_start3A_16 = arith.constant 0 : i32
      %dma_start3A_17 = arith.constant 0 : i32
      %dma_start3A_18 = tpu.memref_slice %arg2[%add3A, %dma_start3A_16, %dma_start3A_17] : memref<32x80x128xi32, #tpu.memory_space<hbm>> -> memref<1x80x128xi32, #tpu.memory_space<hbm>>
      %dma_start3A_19 = tpu.memref_squeeze %dma_start3A_18 : memref<1x80x128xi32, #tpu.memory_space<hbm>> -> memref<80x128xi32, #tpu.memory_space<hbm>>
      tpu.enqueue_dma source(%dma_start3A_19 : memref<80x128xi32, #tpu.memory_space<hbm>>) target(%arg6 : memref<80x128xi32, #tpu.memory_space<vmem>>) target_semaphore(%run_scoped3A : memref<!tpu.dma_semaphore, #tpu.memory_space<semaphore_mem>>)
      %dma_wait3A = arith.constant 0 : i32
      %dma_wait3A_20 = arith.constant 0 : i32
      %dma_wait3A_21 = tpu.memref_slice %arg2[%add3A, %dma_wait3A, %dma_wait3A_20] : memref<32x80x128xi32, #tpu.memory_space<hbm>> -> memref<1x80x128xi32, #tpu.memory_space<hbm>>
      %dma_wait3A_22 = tpu.memref_squeeze %dma_wait3A_21 : memref<1x80x128xi32, #tpu.memory_space<hbm>> -> memref<80x128xi32, #tpu.memory_space<hbm>>
      %dma_wait3A_23 = arith.constant 0 : i32
      %dma_wait3A_24 = arith.constant 0 : i32
      %dma_wait3A_25 = tpu.memref_slice %arg2[%add3A, %dma_wait3A_23, %dma_wait3A_24] : memref<32x80x128xi32, #tpu.memory_space<hbm>> -> memref<1x80x128xi32, #tpu.memory_space<hbm>>
      %dma_wait3A_26 = tpu.memref_squeeze %dma_wait3A_25 : memref<1x80x128xi32, #tpu.memory_space<hbm>> -> memref<80x128xi32, #tpu.memory_space<hbm>>
      tpu.wait_dma2 semaphore(%run_scoped3A : memref<!tpu.dma_semaphore, #tpu.memory_space<semaphore_mem>>) src(%dma_wait3A_26 : memref<80x128xi32, #tpu.memory_space<hbm>>) dst(%arg6 : memref<80x128xi32, #tpu.memory_space<vmem>>)
      tpu.yield
    }) : () -> ()
    "tpu.region"() ({
      %run_scoped3A = tpu.sem_alloc : memref<!tpu.dma_semaphore, #tpu.memory_space<semaphore_mem>>
      tpu.enqueue_dma source(%arg3 : memref<128x128xf32, #tpu.memory_space<hbm>>) target(%arg7 : memref<128x128xf32, #tpu.memory_space<vmem>>) target_semaphore(%run_scoped3A : memref<!tpu.dma_semaphore, #tpu.memory_space<semaphore_mem>>)
      tpu.wait_dma2 semaphore(%run_scoped3A : memref<!tpu.dma_semaphore, #tpu.memory_space<semaphore_mem>>) src(%arg3 : memref<128x128xf32, #tpu.memory_space<hbm>>) dst(%arg7 : memref<128x128xf32, #tpu.memory_space<vmem>>)
      tpu.yield
    }) : () -> ()
    %mul3A_1 = arith.constant 632 : i32
    %mul3A_2 = arith.muli %arg1, %mul3A_1 : i32
    "tpu.region"() ({
      %run_scoped3A = tpu.sem_alloc : memref<!tpu.dma_semaphore, #tpu.memory_space<semaphore_mem>>
      %dma_start3A = arith.constant 0 : i32
      %dma_start3A_13 = tpu.memref_slice %arg9[%mul3A_2, %dma_start3A] : memref<10112x128xf32, #tpu.memory_space<vmem_shared>> -> memref<632x128xf32, #tpu.memory_space<vmem_shared>>
      tpu.enqueue_dma source(%arg4 : memref<632x128xf32, #tpu.memory_space<hbm>>) target(%dma_start3A_13 : memref<632x128xf32, #tpu.memory_space<vmem_shared>>) target_semaphore(%run_scoped3A : memref<!tpu.dma_semaphore, #tpu.memory_space<semaphore_mem>>)
      %dma_wait3A = arith.constant 0 : i32
      %dma_wait3A_14 = tpu.memref_slice %arg9[%mul3A_2, %dma_wait3A] : memref<10112x128xf32, #tpu.memory_space<vmem_shared>> -> memref<632x128xf32, #tpu.memory_space<vmem_shared>>
      tpu.wait_dma2 semaphore(%run_scoped3A : memref<!tpu.dma_semaphore, #tpu.memory_space<semaphore_mem>>) src(%arg4 : memref<632x128xf32, #tpu.memory_space<hbm>>) dst(%dma_wait3A_14 : memref<632x128xf32, #tpu.memory_space<vmem_shared>>)
      tpu.yield
    }) : () -> ()
    %barrier3A = arith.constant 0 : index
    tpu.barrier barrier_id(%barrier3A)
    %scan3A = arith.constant 0 : i32
    %scan3A_3 = arith.constant 0 : i32
    %scan3A_4 = arith.constant 79 : i32
    %scan3A_5 = arith.addi %scan3A_3, %scan3A_4 : i32
    %scan3A_6 = arith.constant 1 : i32
    scf.for %scan3A_13 = %scan3A_3 to %scan3A_5 step %scan3A_6  : i32 {
      "tpu.region"() ({
        %run_scoped3A = tpu.sem_alloc : memref<!tpu.dma_semaphore, #tpu.memory_space<semaphore_mem>>
        %dma_start3A = arith.constant 0 : i32
        %dma_start3A_14 = tpu.memref_slice %arg6[%scan3A_13, %dma_start3A] : memref<80x128xi32, #tpu.memory_space<vmem>> -> memref<1x128xi32, #tpu.memory_space<vmem>>
        %dma_start3A_15 = tpu.memref_squeeze %dma_start3A_14 : memref<1x128xi32, #tpu.memory_space<vmem>> -> memref<128xi32, #tpu.memory_space<vmem>>
        %dma_start3A_16 = arith.constant 0 : i32
        %dma_start3A_17 = arith.constant 0 : i32
        %dma_start3A_18 = tpu.memref_slice %arg9[%dma_start3A_16, %dma_start3A_17] : memref<10112x128xf32, #tpu.memory_space<vmem_shared>> -> memref<10112x128xf32, #tpu.memory_space<vmem_shared>>
        tpu.enqueue_indirect_dma source(%arg7 : memref<128x128xf32, #tpu.memory_space<vmem>>) target(%dma_start3A_18 : memref<10112x128xf32, #tpu.memory_space<vmem_shared>>) offsets(%dma_start3A_15 : memref<128xi32, #tpu.memory_space<vmem>>) semaphore(%run_scoped3A : memref<!tpu.dma_semaphore, #tpu.memory_space<semaphore_mem>>) {add = true}
        %dma_wait3A = arith.constant 0 : i32
        %dma_wait3A_19 = tpu.memref_slice %arg6[%scan3A_13, %dma_wait3A] : memref<80x128xi32, #tpu.memory_space<vmem>> -> memref<1x128xi32, #tpu.memory_space<vmem>>
        %dma_wait3A_20 = tpu.memref_squeeze %dma_wait3A_19 : memref<1x128xi32, #tpu.memory_space<vmem>> -> memref<128xi32, #tpu.memory_space<vmem>>
        %dma_wait3A_21 = arith.constant 0 : i32
        %dma_wait3A_22 = arith.constant 0 : i32
        %dma_wait3A_23 = tpu.memref_slice %arg9[%dma_wait3A_21, %dma_wait3A_22] : memref<10112x128xf32, #tpu.memory_space<vmem_shared>> -> memref<10112x128xf32, #tpu.memory_space<vmem_shared>>
        tpu.wait_indirect_dma semaphore(%run_scoped3A : memref<!tpu.dma_semaphore, #tpu.memory_space<semaphore_mem>>) src(%arg7 : memref<128x128xf32, #tpu.memory_space<vmem>>) dst(%dma_wait3A_23 : memref<10112x128xf32, #tpu.memory_space<vmem_shared>>)
        tpu.yield
      }) : () -> ()
    }
    %scan3A_7 = arith.constant 79 : i32
    %barrier3A_8 = arith.constant 0 : index
    tpu.barrier barrier_id(%barrier3A_8)
    %mul3A_9 = arith.constant 632 : i32
    %mul3A_10 = arith.muli %arg1, %mul3A_9 : i32
    %mul3A_11 = arith.constant 632 : i32
    %mul3A_12 = arith.muli %arg1, %mul3A_11 : i32
    "tpu.region"() ({
      %run_scoped3A = tpu.sem_alloc : memref<!tpu.dma_semaphore, #tpu.memory_space<semaphore_mem>>
      %dma_start3A = arith.constant 0 : i32
      %dma_start3A_13 = tpu.memref_slice %arg5[%arg0, %mul3A_12, %dma_start3A] : memref<2x10112x128xf32, #tpu.memory_space<hbm>> -> memref<1x632x128xf32, #tpu.memory_space<hbm>>
      %dma_start3A_14 = tpu.memref_squeeze %dma_start3A_13 : memref<1x632x128xf32, #tpu.memory_space<hbm>> -> memref<632x128xf32, #tpu.memory_space<hbm>>
      %dma_start3A_15 = arith.constant 0 : i32
      %dma_start3A_16 = tpu.memref_slice %arg9[%mul3A_10, %dma_start3A_15] : memref<10112x128xf32, #tpu.memory_space<vmem_shared>> -> memref<632x128xf32, #tpu.memory_space<vmem_shared>>
      tpu.enqueue_dma source(%dma_start3A_16 : memref<632x128xf32, #tpu.memory_space<vmem_shared>>) target(%dma_start3A_14 : memref<632x128xf32, #tpu.memory_space<hbm>>) target_semaphore(%run_scoped3A : memref<!tpu.dma_semaphore, #tpu.memory_space<semaphore_mem>>)
      %dma_wait3A = arith.constant 0 : i32
      %dma_wait3A_17 = tpu.memref_slice %arg5[%arg0, %mul3A_12, %dma_wait3A] : memref<2x10112x128xf32, #tpu.memory_space<hbm>> -> memref<1x632x128xf32, #tpu.memory_space<hbm>>
      %dma_wait3A_18 = tpu.memref_squeeze %dma_wait3A_17 : memref<1x632x128xf32, #tpu.memory_space<hbm>> -> memref<632x128xf32, #tpu.memory_space<hbm>>
      %dma_wait3A_19 = arith.constant 0 : i32
      %dma_wait3A_20 = tpu.memref_slice %arg9[%mul3A_10, %dma_wait3A_19] : memref<10112x128xf32, #tpu.memory_space<vmem_shared>> -> memref<632x128xf32, #tpu.memory_space<vmem_shared>>
      tpu.wait_dma2 semaphore(%run_scoped3A : memref<!tpu.dma_semaphore, #tpu.memory_space<semaphore_mem>>) src(%dma_wait3A_20 : memref<632x128xf32, #tpu.memory_space<vmem_shared>>) dst(%dma_wait3A_18 : memref<632x128xf32, #tpu.memory_space<hbm>>)
      tpu.yield
    }) : () -> ()
    return
  }
}

#map = affine_map<(d0, d1) -> (0, 0)>
#map1 = affine_map<(d0, d1) -> (0, 0, 0)>
module attributes {stable_mosaic.version = 14 : i64} {
  func.func @k(%arg0: i32, %arg1: i32, %arg2: memref<10000x128xf32, #tpu.memory_space<hbm>>, %arg3: memref<32x128x128xi32, #tpu.memory_space<hbm>>, %arg4: memref<32x128x128xi32, #tpu.memory_space<hbm>>, %arg5: memref<632x128xf32, #tpu.memory_space<hbm>>, %arg6: memref<2x10112x128xf32, #tpu.memory_space<hbm>>, %arg7: memref<128xi32, #tpu.memory_space<vmem>>, %arg8: memref<128xi32, #tpu.memory_space<vmem>>, %arg9: memref<128x128xi32, #tpu.memory_space<vmem>>, %arg10: memref<128x128xf32, #tpu.memory_space<vmem>>, %arg11: memref<128x128xf32, #tpu.memory_space<vmem>>, %arg12: memref<10112x128xf32, #tpu.memory_space<vmem_shared>>, %arg13: memref<!tpu.dma_semaphore, #tpu.memory_space<semaphore_mem>>, %arg14: memref<!tpu.dma_semaphore, #tpu.memory_space<semaphore_mem>>, %arg15: memref<!tpu.dma_semaphore, #tpu.memory_space<semaphore_mem>>, %arg16: memref<!tpu.dma_semaphore, #tpu.memory_space<semaphore_mem>>) attributes {dimension_semantics = [#tpu.dimension_semantics<core_parallel>, #tpu.dimension_semantics<subcore_parallel>], iteration_bounds = array<i64: 2, 16>, scalar_prefetch = 0 : i64, scratch_operands = 10 : i64, tpu.core_type = #tpu.core_type<sc_vector_subcore>, window_params = [{transform_indices = #map}, {transform_indices = #map1}, {transform_indices = #map1}, {transform_indices = #map}, {transform_indices = #map1}]} {
    %mul3A = arith.constant 2 : i32
    %mul3A_0 = arith.muli %arg1, %mul3A : i32
    %add3A = arith.addi %mul3A_0, %arg0 : i32
    %eq3A = arith.constant 0 : i32
    %eq3A_1 = arith.cmpi eq, %arg0, %eq3A : i32
    %jit3A = arith.constant 121 : i32
    %jit3A_2 = arith.constant 37 : i32
    %select_n3A = arith.select %eq3A_1, %jit3A, %jit3A_2 : i32
    %sub3A = arith.constant 1 : i32
    %sub3A_3 = arith.subi %select_n3A, %sub3A : i32
    %jit3A_4 = arith.constant 2 : i32
    %div3A = arith.divsi %sub3A_3, %jit3A_4 : i32
    %sign3A = arith.constant 0 : i32
    %sign3A_5 = arith.cmpi sgt, %sub3A_3, %sign3A : i32
    %sign3A_6 = arith.extui %sign3A_5 : i1 to i32
    %sign3A_7 = arith.constant 0 : i32
    %sign3A_8 = arith.cmpi slt, %sub3A_3, %sign3A_7 : i32
    %sign3A_9 = arith.extui %sign3A_8 : i1 to i32
    %sign3A_10 = arith.subi %sign3A_6, %sign3A_9 : i32
    %sign3A_11 = arith.constant 0 : i32
    %sign3A_12 = arith.cmpi sgt, %jit3A_4, %sign3A_11 : i32
    %sign3A_13 = arith.extui %sign3A_12 : i1 to i32
    %sign3A_14 = arith.constant 0 : i32
    %sign3A_15 = arith.cmpi slt, %jit3A_4, %sign3A_14 : i32
    %sign3A_16 = arith.extui %sign3A_15 : i1 to i32
    %sign3A_17 = arith.subi %sign3A_13, %sign3A_16 : i32
    %ne3A = arith.cmpi ne, %sign3A_10, %sign3A_17 : i32
    %rem3A = arith.remsi %sub3A_3, %jit3A_4 : i32
    %ne3A_18 = arith.constant 0 : i32
    %ne3A_19 = arith.cmpi ne, %rem3A, %ne3A_18 : i32
    %and3A = arith.andi %ne3A, %ne3A_19 : i1
    %sub3A_20 = arith.constant 1 : i32
    %sub3A_21 = arith.subi %div3A, %sub3A_20 : i32
    %select_n3A_22 = arith.select %and3A, %sub3A_21, %div3A : i32
    "tpu.region"() ({
      %run_scoped3A_59 = tpu.sem_alloc : memref<!tpu.dma_semaphore, #tpu.memory_space<semaphore_mem>>
      %dma_start3A_60 = arith.constant 0 : i32
      %dma_start3A_61 = arith.constant 0 : i32
      %dma_start3A_62 = tpu.memref_slice %arg4[%add3A, %dma_start3A_60, %dma_start3A_61] : memref<32x128x128xi32, #tpu.memory_space<hbm>> -> memref<1x128x128xi32, #tpu.memory_space<hbm>>
      %dma_start3A_63 = tpu.memref_squeeze %dma_start3A_62 : memref<1x128x128xi32, #tpu.memory_space<hbm>> -> memref<128x128xi32, #tpu.memory_space<hbm>>
      %dma_start3A_64 = arith.constant 0 : i32
      %dma_start3A_65 = arith.constant 0 : i32
      %dma_start3A_66 = tpu.memref_slice %arg4[%add3A, %dma_start3A_64, %dma_start3A_65] : memref<32x128x128xi32, #tpu.memory_space<hbm>> -> memref<1x128x128xi32, #tpu.memory_space<hbm>>
      %dma_start3A_67 = tpu.memref_squeeze %dma_start3A_66 : memref<1x128x128xi32, #tpu.memory_space<hbm>> -> memref<128x128xi32, #tpu.memory_space<hbm>>
      tpu.enqueue_dma source(%dma_start3A_67 : memref<128x128xi32, #tpu.memory_space<hbm>>) target(%arg9 : memref<128x128xi32, #tpu.memory_space<vmem>>) target_semaphore(%run_scoped3A_59 : memref<!tpu.dma_semaphore, #tpu.memory_space<semaphore_mem>>)
      %dma_wait3A_68 = arith.constant 0 : i32
      %dma_wait3A_69 = arith.constant 0 : i32
      %dma_wait3A_70 = tpu.memref_slice %arg4[%add3A, %dma_wait3A_68, %dma_wait3A_69] : memref<32x128x128xi32, #tpu.memory_space<hbm>> -> memref<1x128x128xi32, #tpu.memory_space<hbm>>
      %dma_wait3A_71 = tpu.memref_squeeze %dma_wait3A_70 : memref<1x128x128xi32, #tpu.memory_space<hbm>> -> memref<128x128xi32, #tpu.memory_space<hbm>>
      %dma_wait3A_72 = arith.constant 0 : i32
      %dma_wait3A_73 = arith.constant 0 : i32
      %dma_wait3A_74 = tpu.memref_slice %arg4[%add3A, %dma_wait3A_72, %dma_wait3A_73] : memref<32x128x128xi32, #tpu.memory_space<hbm>> -> memref<1x128x128xi32, #tpu.memory_space<hbm>>
      %dma_wait3A_75 = tpu.memref_squeeze %dma_wait3A_74 : memref<1x128x128xi32, #tpu.memory_space<hbm>> -> memref<128x128xi32, #tpu.memory_space<hbm>>
      tpu.wait_dma2 semaphore(%run_scoped3A_59 : memref<!tpu.dma_semaphore, #tpu.memory_space<semaphore_mem>>) src(%dma_wait3A_75 : memref<128x128xi32, #tpu.memory_space<hbm>>) dst(%arg9 : memref<128x128xi32, #tpu.memory_space<vmem>>)
      tpu.yield
    }) : () -> ()
    %run_scoped3A = arith.constant 0 : i32
    "tpu.region"() ({
      %run_scoped3A_59 = tpu.sem_alloc : memref<!tpu.dma_semaphore, #tpu.memory_space<semaphore_mem>>
      %dma_start3A_60 = arith.constant 0 : i32
      %dma_start3A_61 = tpu.memref_slice %arg3[%add3A, %run_scoped3A, %dma_start3A_60] : memref<32x128x128xi32, #tpu.memory_space<hbm>> -> memref<1x1x128xi32, #tpu.memory_space<hbm>>
      %dma_start3A_62 = tpu.memref_squeeze %dma_start3A_61 : memref<1x1x128xi32, #tpu.memory_space<hbm>> -> memref<128xi32, #tpu.memory_space<hbm>>
      %dma_start3A_63 = arith.constant 0 : i32
      %dma_start3A_64 = tpu.memref_slice %arg3[%add3A, %run_scoped3A, %dma_start3A_63] : memref<32x128x128xi32, #tpu.memory_space<hbm>> -> memref<1x1x128xi32, #tpu.memory_space<hbm>>
      %dma_start3A_65 = tpu.memref_squeeze %dma_start3A_64 : memref<1x1x128xi32, #tpu.memory_space<hbm>> -> memref<128xi32, #tpu.memory_space<hbm>>
      tpu.enqueue_dma source(%dma_start3A_65 : memref<128xi32, #tpu.memory_space<hbm>>) target(%arg7 : memref<128xi32, #tpu.memory_space<vmem>>) target_semaphore(%run_scoped3A_59 : memref<!tpu.dma_semaphore, #tpu.memory_space<semaphore_mem>>)
      %dma_wait3A_66 = arith.constant 0 : i32
      %dma_wait3A_67 = tpu.memref_slice %arg3[%add3A, %run_scoped3A, %dma_wait3A_66] : memref<32x128x128xi32, #tpu.memory_space<hbm>> -> memref<1x1x128xi32, #tpu.memory_space<hbm>>
      %dma_wait3A_68 = tpu.memref_squeeze %dma_wait3A_67 : memref<1x1x128xi32, #tpu.memory_space<hbm>> -> memref<128xi32, #tpu.memory_space<hbm>>
      %dma_wait3A_69 = arith.constant 0 : i32
      %dma_wait3A_70 = tpu.memref_slice %arg3[%add3A, %run_scoped3A, %dma_wait3A_69] : memref<32x128x128xi32, #tpu.memory_space<hbm>> -> memref<1x1x128xi32, #tpu.memory_space<hbm>>
      %dma_wait3A_71 = tpu.memref_squeeze %dma_wait3A_70 : memref<1x1x128xi32, #tpu.memory_space<hbm>> -> memref<128xi32, #tpu.memory_space<hbm>>
      tpu.wait_dma2 semaphore(%run_scoped3A_59 : memref<!tpu.dma_semaphore, #tpu.memory_space<semaphore_mem>>) src(%dma_wait3A_71 : memref<128xi32, #tpu.memory_space<hbm>>) dst(%arg7 : memref<128xi32, #tpu.memory_space<vmem>>)
      tpu.yield
    }) : () -> ()
    %mul3A_23 = arith.constant 632 : i32
    %mul3A_24 = arith.muli %arg1, %mul3A_23 : i32
    "tpu.region"() ({
      %run_scoped3A_59 = tpu.sem_alloc : memref<!tpu.dma_semaphore, #tpu.memory_space<semaphore_mem>>
      %dma_start3A_60 = arith.constant 0 : i32
      %dma_start3A_61 = tpu.memref_slice %arg12[%mul3A_24, %dma_start3A_60] : memref<10112x128xf32, #tpu.memory_space<vmem_shared>> -> memref<632x128xf32, #tpu.memory_space<vmem_shared>>
      tpu.enqueue_dma source(%arg5 : memref<632x128xf32, #tpu.memory_space<hbm>>) target(%dma_start3A_61 : memref<632x128xf32, #tpu.memory_space<vmem_shared>>) target_semaphore(%run_scoped3A_59 : memref<!tpu.dma_semaphore, #tpu.memory_space<semaphore_mem>>)
      %dma_wait3A_62 = arith.constant 0 : i32
      %dma_wait3A_63 = tpu.memref_slice %arg12[%mul3A_24, %dma_wait3A_62] : memref<10112x128xf32, #tpu.memory_space<vmem_shared>> -> memref<632x128xf32, #tpu.memory_space<vmem_shared>>
      tpu.wait_dma2 semaphore(%run_scoped3A_59 : memref<!tpu.dma_semaphore, #tpu.memory_space<semaphore_mem>>) src(%arg5 : memref<632x128xf32, #tpu.memory_space<hbm>>) dst(%dma_wait3A_63 : memref<632x128xf32, #tpu.memory_space<vmem_shared>>)
      tpu.yield
    }) : () -> ()
    %dma_start3A = arith.constant 0 : i32
    %dma_start3A_25 = arith.constant 0 : i32
    %dma_start3A_26 = tpu.memref_slice %arg2[%dma_start3A, %dma_start3A_25] : memref<10000x128xf32, #tpu.memory_space<hbm>> -> memref<10000x128xf32, #tpu.memory_space<hbm>>
    tpu.enqueue_indirect_dma source(%dma_start3A_26 : memref<10000x128xf32, #tpu.memory_space<hbm>>) target(%arg10 : memref<128x128xf32, #tpu.memory_space<vmem>>) offsets(%arg7 : memref<128xi32, #tpu.memory_space<vmem>>) semaphore(%arg13 : memref<!tpu.dma_semaphore, #tpu.memory_space<semaphore_mem>>)
    %dma_start3A_27 = arith.constant 1 : i32
    %dma_start3A_28 = arith.constant 0 : i32
    %dma_start3A_29 = tpu.memref_slice %arg3[%add3A, %dma_start3A_27, %dma_start3A_28] : memref<32x128x128xi32, #tpu.memory_space<hbm>> -> memref<1x1x128xi32, #tpu.memory_space<hbm>>
    %dma_start3A_30 = tpu.memref_squeeze %dma_start3A_29 : memref<1x1x128xi32, #tpu.memory_space<hbm>> -> memref<128xi32, #tpu.memory_space<hbm>>
    %dma_start3A_31 = arith.constant 0 : i32
    %dma_start3A_32 = tpu.memref_slice %arg3[%add3A, %dma_start3A_27, %dma_start3A_31] : memref<32x128x128xi32, #tpu.memory_space<hbm>> -> memref<1x1x128xi32, #tpu.memory_space<hbm>>
    %dma_start3A_33 = tpu.memref_squeeze %dma_start3A_32 : memref<1x1x128xi32, #tpu.memory_space<hbm>> -> memref<128xi32, #tpu.memory_space<hbm>>
    tpu.enqueue_dma source(%dma_start3A_33 : memref<128xi32, #tpu.memory_space<hbm>>) target(%arg8 : memref<128xi32, #tpu.memory_space<vmem>>) target_semaphore(%arg16 : memref<!tpu.dma_semaphore, #tpu.memory_space<semaphore_mem>>)
    %barrier3A = arith.constant 0 : index
    tpu.barrier barrier_id(%barrier3A)
    %while3A = arith.constant 0 : i32
    %while3A_34 = arith.constant 0 : i32
    %while3A_35 = arith.subi %select_n3A_22, %while3A_34 : i32
    %while3A_36 = arith.addi %while3A_34, %while3A_35 : i32
    %while3A_37 = arith.constant 1 : i32
    %while3A_38 = arith.divsi %while3A_35, %while3A_37 : i32
    %while3A_39 = arith.muli %while3A_38, %while3A_37 : i32
    %while3A_40 = arith.addi %while3A_34, %while3A_39 : i32
    %while3A_41 = arith.constant 1 : i32
    scf.for %while3A_59 = %while3A_34 to %while3A_40 step %while3A_41  : i32 {
      %mul3A_60 = arith.constant 2 : i32
      %mul3A_61 = arith.muli %mul3A_60, %while3A_59 : i32
      %dma_wait3A_62 = arith.constant 0 : i32
      %dma_wait3A_63 = arith.constant 0 : i32
      %dma_wait3A_64 = tpu.memref_slice %arg2[%dma_wait3A_62, %dma_wait3A_63] : memref<10000x128xf32, #tpu.memory_space<hbm>> -> memref<10000x128xf32, #tpu.memory_space<hbm>>
      tpu.wait_indirect_dma semaphore(%arg13 : memref<!tpu.dma_semaphore, #tpu.memory_space<semaphore_mem>>) src(%dma_wait3A_64 : memref<10000x128xf32, #tpu.memory_space<hbm>>) dst(%arg10 : memref<128x128xf32, #tpu.memory_space<vmem>>)
      %add3A_65 = arith.constant 2 : i32
      %add3A_66 = arith.addi %mul3A_61, %add3A_65 : i32
      %dma_start3A_67 = arith.constant 0 : i32
      %dma_start3A_68 = tpu.memref_slice %arg3[%add3A, %add3A_66, %dma_start3A_67] : memref<32x128x128xi32, #tpu.memory_space<hbm>> -> memref<1x1x128xi32, #tpu.memory_space<hbm>>
      %dma_start3A_69 = tpu.memref_squeeze %dma_start3A_68 : memref<1x1x128xi32, #tpu.memory_space<hbm>> -> memref<128xi32, #tpu.memory_space<hbm>>
      %dma_start3A_70 = arith.constant 0 : i32
      %dma_start3A_71 = tpu.memref_slice %arg3[%add3A, %add3A_66, %dma_start3A_70] : memref<32x128x128xi32, #tpu.memory_space<hbm>> -> memref<1x1x128xi32, #tpu.memory_space<hbm>>
      %dma_start3A_72 = tpu.memref_squeeze %dma_start3A_71 : memref<1x1x128xi32, #tpu.memory_space<hbm>> -> memref<128xi32, #tpu.memory_space<hbm>>
      tpu.enqueue_dma source(%dma_start3A_72 : memref<128xi32, #tpu.memory_space<hbm>>) target(%arg7 : memref<128xi32, #tpu.memory_space<vmem>>) target_semaphore(%arg15 : memref<!tpu.dma_semaphore, #tpu.memory_space<semaphore_mem>>)
      %add3A_73 = arith.constant 1 : i32
      %add3A_74 = arith.addi %mul3A_61, %add3A_73 : i32
      %dma_wait3A_75 = arith.constant 0 : i32
      %dma_wait3A_76 = tpu.memref_slice %arg3[%add3A, %add3A_74, %dma_wait3A_75] : memref<32x128x128xi32, #tpu.memory_space<hbm>> -> memref<1x1x128xi32, #tpu.memory_space<hbm>>
      %dma_wait3A_77 = tpu.memref_squeeze %dma_wait3A_76 : memref<1x1x128xi32, #tpu.memory_space<hbm>> -> memref<128xi32, #tpu.memory_space<hbm>>
      %dma_wait3A_78 = arith.constant 0 : i32
      %dma_wait3A_79 = tpu.memref_slice %arg3[%add3A, %add3A_74, %dma_wait3A_78] : memref<32x128x128xi32, #tpu.memory_space<hbm>> -> memref<1x1x128xi32, #tpu.memory_space<hbm>>
      %dma_wait3A_80 = tpu.memref_squeeze %dma_wait3A_79 : memref<1x1x128xi32, #tpu.memory_space<hbm>> -> memref<128xi32, #tpu.memory_space<hbm>>
      tpu.wait_dma2 semaphore(%arg16 : memref<!tpu.dma_semaphore, #tpu.memory_space<semaphore_mem>>) src(%dma_wait3A_80 : memref<128xi32, #tpu.memory_space<hbm>>) dst(%arg8 : memref<128xi32, #tpu.memory_space<vmem>>)
      %dma_start3A_81 = arith.constant 0 : i32
      %dma_start3A_82 = arith.constant 0 : i32
      %dma_start3A_83 = tpu.memref_slice %arg2[%dma_start3A_81, %dma_start3A_82] : memref<10000x128xf32, #tpu.memory_space<hbm>> -> memref<10000x128xf32, #tpu.memory_space<hbm>>
      tpu.enqueue_indirect_dma source(%dma_start3A_83 : memref<10000x128xf32, #tpu.memory_space<hbm>>) target(%arg11 : memref<128x128xf32, #tpu.memory_space<vmem>>) offsets(%arg8 : memref<128xi32, #tpu.memory_space<vmem>>) semaphore(%arg14 : memref<!tpu.dma_semaphore, #tpu.memory_space<semaphore_mem>>)
      "tpu.region"() ({
        %run_scoped3A_108 = tpu.sem_alloc : memref<!tpu.dma_semaphore, #tpu.memory_space<semaphore_mem>>
        %dma_start3A_109 = arith.constant 0 : i32
        %dma_start3A_110 = tpu.memref_slice %arg9[%mul3A_61, %dma_start3A_109] : memref<128x128xi32, #tpu.memory_space<vmem>> -> memref<1x128xi32, #tpu.memory_space<vmem>>
        %dma_start3A_111 = tpu.memref_squeeze %dma_start3A_110 : memref<1x128xi32, #tpu.memory_space<vmem>> -> memref<128xi32, #tpu.memory_space<vmem>>
        %dma_start3A_112 = arith.constant 0 : i32
        %dma_start3A_113 = arith.constant 0 : i32
        %dma_start3A_114 = tpu.memref_slice %arg12[%dma_start3A_112, %dma_start3A_113] : memref<10112x128xf32, #tpu.memory_space<vmem_shared>> -> memref<10112x128xf32, #tpu.memory_space<vmem_shared>>
        tpu.enqueue_indirect_dma source(%arg10 : memref<128x128xf32, #tpu.memory_space<vmem>>) target(%dma_start3A_114 : memref<10112x128xf32, #tpu.memory_space<vmem_shared>>) offsets(%dma_start3A_111 : memref<128xi32, #tpu.memory_space<vmem>>) semaphore(%run_scoped3A_108 : memref<!tpu.dma_semaphore, #tpu.memory_space<semaphore_mem>>) {add = true}
        %dma_wait3A_115 = arith.constant 0 : i32
        %dma_wait3A_116 = tpu.memref_slice %arg9[%mul3A_61, %dma_wait3A_115] : memref<128x128xi32, #tpu.memory_space<vmem>> -> memref<1x128xi32, #tpu.memory_space<vmem>>
        %dma_wait3A_117 = tpu.memref_squeeze %dma_wait3A_116 : memref<1x128xi32, #tpu.memory_space<vmem>> -> memref<128xi32, #tpu.memory_space<vmem>>
        %dma_wait3A_118 = arith.constant 0 : i32
        %dma_wait3A_119 = arith.constant 0 : i32
        %dma_wait3A_120 = tpu.memref_slice %arg12[%dma_wait3A_118, %dma_wait3A_119] : memref<10112x128xf32, #tpu.memory_space<vmem_shared>> -> memref<10112x128xf32, #tpu.memory_space<vmem_shared>>
        tpu.wait_indirect_dma semaphore(%run_scoped3A_108 : memref<!tpu.dma_semaphore, #tpu.memory_space<semaphore_mem>>) src(%arg10 : memref<128x128xf32, #tpu.memory_space<vmem>>) dst(%dma_wait3A_120 : memref<10112x128xf32, #tpu.memory_space<vmem_shared>>)
        tpu.yield
      }) : () -> ()
      %dma_wait3A_84 = arith.constant 0 : i32
      %dma_wait3A_85 = arith.constant 0 : i32
      %dma_wait3A_86 = tpu.memref_slice %arg2[%dma_wait3A_84, %dma_wait3A_85] : memref<10000x128xf32, #tpu.memory_space<hbm>> -> memref<10000x128xf32, #tpu.memory_space<hbm>>
      tpu.wait_indirect_dma semaphore(%arg14 : memref<!tpu.dma_semaphore, #tpu.memory_space<semaphore_mem>>) src(%dma_wait3A_86 : memref<10000x128xf32, #tpu.memory_space<hbm>>) dst(%arg11 : memref<128x128xf32, #tpu.memory_space<vmem>>)
      %add3A_87 = arith.constant 3 : i32
      %add3A_88 = arith.addi %mul3A_61, %add3A_87 : i32
      %dma_start3A_89 = arith.constant 0 : i32
      %dma_start3A_90 = tpu.memref_slice %arg3[%add3A, %add3A_88, %dma_start3A_89] : memref<32x128x128xi32, #tpu.memory_space<hbm>> -> memref<1x1x128xi32, #tpu.memory_space<hbm>>
      %dma_start3A_91 = tpu.memref_squeeze %dma_start3A_90 : memref<1x1x128xi32, #tpu.memory_space<hbm>> -> memref<128xi32, #tpu.memory_space<hbm>>
      %dma_start3A_92 = arith.constant 0 : i32
      %dma_start3A_93 = tpu.memref_slice %arg3[%add3A, %add3A_88, %dma_start3A_92] : memref<32x128x128xi32, #tpu.memory_space<hbm>> -> memref<1x1x128xi32, #tpu.memory_space<hbm>>
      %dma_start3A_94 = tpu.memref_squeeze %dma_start3A_93 : memref<1x1x128xi32, #tpu.memory_space<hbm>> -> memref<128xi32, #tpu.memory_space<hbm>>
      tpu.enqueue_dma source(%dma_start3A_94 : memref<128xi32, #tpu.memory_space<hbm>>) target(%arg8 : memref<128xi32, #tpu.memory_space<vmem>>) target_semaphore(%arg16 : memref<!tpu.dma_semaphore, #tpu.memory_space<semaphore_mem>>)
      %add3A_95 = arith.constant 2 : i32
      %add3A_96 = arith.addi %mul3A_61, %add3A_95 : i32
      %dma_wait3A_97 = arith.constant 0 : i32
      %dma_wait3A_98 = tpu.memref_slice %arg3[%add3A, %add3A_96, %dma_wait3A_97] : memref<32x128x128xi32, #tpu.memory_space<hbm>> -> memref<1x1x128xi32, #tpu.memory_space<hbm>>
      %dma_wait3A_99 = tpu.memref_squeeze %dma_wait3A_98 : memref<1x1x128xi32, #tpu.memory_space<hbm>> -> memref<128xi32, #tpu.memory_space<hbm>>
      %dma_wait3A_100 = arith.constant 0 : i32
      %dma_wait3A_101 = tpu.memref_slice %arg3[%add3A, %add3A_96, %dma_wait3A_100] : memref<32x128x128xi32, #tpu.memory_space<hbm>> -> memref<1x1x128xi32, #tpu.memory_space<hbm>>
      %dma_wait3A_102 = tpu.memref_squeeze %dma_wait3A_101 : memref<1x1x128xi32, #tpu.memory_space<hbm>> -> memref<128xi32, #tpu.memory_space<hbm>>
      tpu.wait_dma2 semaphore(%arg15 : memref<!tpu.dma_semaphore, #tpu.memory_space<semaphore_mem>>) src(%dma_wait3A_102 : memref<128xi32, #tpu.memory_space<hbm>>) dst(%arg7 : memref<128xi32, #tpu.memory_space<vmem>>)
      %dma_start3A_103 = arith.constant 0 : i32
      %dma_start3A_104 = arith.constant 0 : i32
      %dma_start3A_105 = tpu.memref_slice %arg2[%dma_start3A_103, %dma_start3A_104] : memref<10000x128xf32, #tpu.memory_space<hbm>> -> memref<10000x128xf32, #tpu.memory_space<hbm>>
      tpu.enqueue_indirect_dma source(%dma_start3A_105 : memref<10000x128xf32, #tpu.memory_space<hbm>>) target(%arg10 : memref<128x128xf32, #tpu.memory_space<vmem>>) offsets(%arg7 : memref<128xi32, #tpu.memory_space<vmem>>) semaphore(%arg13 : memref<!tpu.dma_semaphore, #tpu.memory_space<semaphore_mem>>)
      %add3A_106 = arith.constant 1 : i32
      %add3A_107 = arith.addi %mul3A_61, %add3A_106 : i32
      "tpu.region"() ({
        %run_scoped3A_108 = tpu.sem_alloc : memref<!tpu.dma_semaphore, #tpu.memory_space<semaphore_mem>>
        %dma_start3A_109 = arith.constant 0 : i32
        %dma_start3A_110 = tpu.memref_slice %arg9[%add3A_107, %dma_start3A_109] : memref<128x128xi32, #tpu.memory_space<vmem>> -> memref<1x128xi32, #tpu.memory_space<vmem>>
        %dma_start3A_111 = tpu.memref_squeeze %dma_start3A_110 : memref<1x128xi32, #tpu.memory_space<vmem>> -> memref<128xi32, #tpu.memory_space<vmem>>
        %dma_start3A_112 = arith.constant 0 : i32
        %dma_start3A_113 = arith.constant 0 : i32
        %dma_start3A_114 = tpu.memref_slice %arg12[%dma_start3A_112, %dma_start3A_113] : memref<10112x128xf32, #tpu.memory_space<vmem_shared>> -> memref<10112x128xf32, #tpu.memory_space<vmem_shared>>
        tpu.enqueue_indirect_dma source(%arg11 : memref<128x128xf32, #tpu.memory_space<vmem>>) target(%dma_start3A_114 : memref<10112x128xf32, #tpu.memory_space<vmem_shared>>) offsets(%dma_start3A_111 : memref<128xi32, #tpu.memory_space<vmem>>) semaphore(%run_scoped3A_108 : memref<!tpu.dma_semaphore, #tpu.memory_space<semaphore_mem>>) {add = true}
        %dma_wait3A_115 = arith.constant 0 : i32
        %dma_wait3A_116 = tpu.memref_slice %arg9[%add3A_107, %dma_wait3A_115] : memref<128x128xi32, #tpu.memory_space<vmem>> -> memref<1x128xi32, #tpu.memory_space<vmem>>
        %dma_wait3A_117 = tpu.memref_squeeze %dma_wait3A_116 : memref<1x128xi32, #tpu.memory_space<vmem>> -> memref<128xi32, #tpu.memory_space<vmem>>
        %dma_wait3A_118 = arith.constant 0 : i32
        %dma_wait3A_119 = arith.constant 0 : i32
        %dma_wait3A_120 = tpu.memref_slice %arg12[%dma_wait3A_118, %dma_wait3A_119] : memref<10112x128xf32, #tpu.memory_space<vmem_shared>> -> memref<10112x128xf32, #tpu.memory_space<vmem_shared>>
        tpu.wait_indirect_dma semaphore(%run_scoped3A_108 : memref<!tpu.dma_semaphore, #tpu.memory_space<semaphore_mem>>) src(%arg11 : memref<128x128xf32, #tpu.memory_space<vmem>>) dst(%dma_wait3A_120 : memref<10112x128xf32, #tpu.memory_space<vmem_shared>>)
        tpu.yield
      }) : () -> ()
    }
    %while3A_42 = arith.constant 1 : i32
    scf.for %while3A_59 = %while3A_40 to %while3A_36 step %while3A_42  : i32 {
      %mul3A_60 = arith.constant 2 : i32
      %mul3A_61 = arith.muli %mul3A_60, %while3A_59 : i32
      %dma_wait3A_62 = arith.constant 0 : i32
      %dma_wait3A_63 = arith.constant 0 : i32
      %dma_wait3A_64 = tpu.memref_slice %arg2[%dma_wait3A_62, %dma_wait3A_63] : memref<10000x128xf32, #tpu.memory_space<hbm>> -> memref<10000x128xf32, #tpu.memory_space<hbm>>
      tpu.wait_indirect_dma semaphore(%arg13 : memref<!tpu.dma_semaphore, #tpu.memory_space<semaphore_mem>>) src(%dma_wait3A_64 : memref<10000x128xf32, #tpu.memory_space<hbm>>) dst(%arg10 : memref<128x128xf32, #tpu.memory_space<vmem>>)
      %add3A_65 = arith.constant 2 : i32
      %add3A_66 = arith.addi %mul3A_61, %add3A_65 : i32
      %dma_start3A_67 = arith.constant 0 : i32
      %dma_start3A_68 = tpu.memref_slice %arg3[%add3A, %add3A_66, %dma_start3A_67] : memref<32x128x128xi32, #tpu.memory_space<hbm>> -> memref<1x1x128xi32, #tpu.memory_space<hbm>>
      %dma_start3A_69 = tpu.memref_squeeze %dma_start3A_68 : memref<1x1x128xi32, #tpu.memory_space<hbm>> -> memref<128xi32, #tpu.memory_space<hbm>>
      %dma_start3A_70 = arith.constant 0 : i32
      %dma_start3A_71 = tpu.memref_slice %arg3[%add3A, %add3A_66, %dma_start3A_70] : memref<32x128x128xi32, #tpu.memory_space<hbm>> -> memref<1x1x128xi32, #tpu.memory_space<hbm>>
      %dma_start3A_72 = tpu.memref_squeeze %dma_start3A_71 : memref<1x1x128xi32, #tpu.memory_space<hbm>> -> memref<128xi32, #tpu.memory_space<hbm>>
      tpu.enqueue_dma source(%dma_start3A_72 : memref<128xi32, #tpu.memory_space<hbm>>) target(%arg7 : memref<128xi32, #tpu.memory_space<vmem>>) target_semaphore(%arg15 : memref<!tpu.dma_semaphore, #tpu.memory_space<semaphore_mem>>)
      %add3A_73 = arith.constant 1 : i32
      %add3A_74 = arith.addi %mul3A_61, %add3A_73 : i32
      %dma_wait3A_75 = arith.constant 0 : i32
      %dma_wait3A_76 = tpu.memref_slice %arg3[%add3A, %add3A_74, %dma_wait3A_75] : memref<32x128x128xi32, #tpu.memory_space<hbm>> -> memref<1x1x128xi32, #tpu.memory_space<hbm>>
      %dma_wait3A_77 = tpu.memref_squeeze %dma_wait3A_76 : memref<1x1x128xi32, #tpu.memory_space<hbm>> -> memref<128xi32, #tpu.memory_space<hbm>>
      %dma_wait3A_78 = arith.constant 0 : i32
      %dma_wait3A_79 = tpu.memref_slice %arg3[%add3A, %add3A_74, %dma_wait3A_78] : memref<32x128x128xi32, #tpu.memory_space<hbm>> -> memref<1x1x128xi32, #tpu.memory_space<hbm>>
      %dma_wait3A_80 = tpu.memref_squeeze %dma_wait3A_79 : memref<1x1x128xi32, #tpu.memory_space<hbm>> -> memref<128xi32, #tpu.memory_space<hbm>>
      tpu.wait_dma2 semaphore(%arg16 : memref<!tpu.dma_semaphore, #tpu.memory_space<semaphore_mem>>) src(%dma_wait3A_80 : memref<128xi32, #tpu.memory_space<hbm>>) dst(%arg8 : memref<128xi32, #tpu.memory_space<vmem>>)
      %dma_start3A_81 = arith.constant 0 : i32
      %dma_start3A_82 = arith.constant 0 : i32
      %dma_start3A_83 = tpu.memref_slice %arg2[%dma_start3A_81, %dma_start3A_82] : memref<10000x128xf32, #tpu.memory_space<hbm>> -> memref<10000x128xf32, #tpu.memory_space<hbm>>
      tpu.enqueue_indirect_dma source(%dma_start3A_83 : memref<10000x128xf32, #tpu.memory_space<hbm>>) target(%arg11 : memref<128x128xf32, #tpu.memory_space<vmem>>) offsets(%arg8 : memref<128xi32, #tpu.memory_space<vmem>>) semaphore(%arg14 : memref<!tpu.dma_semaphore, #tpu.memory_space<semaphore_mem>>)
      "tpu.region"() ({
        %run_scoped3A_108 = tpu.sem_alloc : memref<!tpu.dma_semaphore, #tpu.memory_space<semaphore_mem>>
        %dma_start3A_109 = arith.constant 0 : i32
        %dma_start3A_110 = tpu.memref_slice %arg9[%mul3A_61, %dma_start3A_109] : memref<128x128xi32, #tpu.memory_space<vmem>> -> memref<1x128xi32, #tpu.memory_space<vmem>>
        %dma_start3A_111 = tpu.memref_squeeze %dma_start3A_110 : memref<1x128xi32, #tpu.memory_space<vmem>> -> memref<128xi32, #tpu.memory_space<vmem>>
        %dma_start3A_112 = arith.constant 0 : i32
        %dma_start3A_113 = arith.constant 0 : i32
        %dma_start3A_114 = tpu.memref_slice %arg12[%dma_start3A_112, %dma_start3A_113] : memref<10112x128xf32, #tpu.memory_space<vmem_shared>> -> memref<10112x128xf32, #tpu.memory_space<vmem_shared>>
        tpu.enqueue_indirect_dma source(%arg10 : memref<128x128xf32, #tpu.memory_space<vmem>>) target(%dma_start3A_114 : memref<10112x128xf32, #tpu.memory_space<vmem_shared>>) offsets(%dma_start3A_111 : memref<128xi32, #tpu.memory_space<vmem>>) semaphore(%run_scoped3A_108 : memref<!tpu.dma_semaphore, #tpu.memory_space<semaphore_mem>>) {add = true}
        %dma_wait3A_115 = arith.constant 0 : i32
        %dma_wait3A_116 = tpu.memref_slice %arg9[%mul3A_61, %dma_wait3A_115] : memref<128x128xi32, #tpu.memory_space<vmem>> -> memref<1x128xi32, #tpu.memory_space<vmem>>
        %dma_wait3A_117 = tpu.memref_squeeze %dma_wait3A_116 : memref<1x128xi32, #tpu.memory_space<vmem>> -> memref<128xi32, #tpu.memory_space<vmem>>
        %dma_wait3A_118 = arith.constant 0 : i32
        %dma_wait3A_119 = arith.constant 0 : i32
        %dma_wait3A_120 = tpu.memref_slice %arg12[%dma_wait3A_118, %dma_wait3A_119] : memref<10112x128xf32, #tpu.memory_space<vmem_shared>> -> memref<10112x128xf32, #tpu.memory_space<vmem_shared>>
        tpu.wait_indirect_dma semaphore(%run_scoped3A_108 : memref<!tpu.dma_semaphore, #tpu.memory_space<semaphore_mem>>) src(%arg10 : memref<128x128xf32, #tpu.memory_space<vmem>>) dst(%dma_wait3A_120 : memref<10112x128xf32, #tpu.memory_space<vmem_shared>>)
        tpu.yield
      }) : () -> ()
      %dma_wait3A_84 = arith.constant 0 : i32
      %dma_wait3A_85 = arith.constant 0 : i32
      %dma_wait3A_86 = tpu.memref_slice %arg2[%dma_wait3A_84, %dma_wait3A_85] : memref<10000x128xf32, #tpu.memory_space<hbm>> -> memref<10000x128xf32, #tpu.memory_space<hbm>>
      tpu.wait_indirect_dma semaphore(%arg14 : memref<!tpu.dma_semaphore, #tpu.memory_space<semaphore_mem>>) src(%dma_wait3A_86 : memref<10000x128xf32, #tpu.memory_space<hbm>>) dst(%arg11 : memref<128x128xf32, #tpu.memory_space<vmem>>)
      %add3A_87 = arith.constant 3 : i32
      %add3A_88 = arith.addi %mul3A_61, %add3A_87 : i32
      %dma_start3A_89 = arith.constant 0 : i32
      %dma_start3A_90 = tpu.memref_slice %arg3[%add3A, %add3A_88, %dma_start3A_89] : memref<32x128x128xi32, #tpu.memory_space<hbm>> -> memref<1x1x128xi32, #tpu.memory_space<hbm>>
      %dma_start3A_91 = tpu.memref_squeeze %dma_start3A_90 : memref<1x1x128xi32, #tpu.memory_space<hbm>> -> memref<128xi32, #tpu.memory_space<hbm>>
      %dma_start3A_92 = arith.constant 0 : i32
      %dma_start3A_93 = tpu.memref_slice %arg3[%add3A, %add3A_88, %dma_start3A_92] : memref<32x128x128xi32, #tpu.memory_space<hbm>> -> memref<1x1x128xi32, #tpu.memory_space<hbm>>
      %dma_start3A_94 = tpu.memref_squeeze %dma_start3A_93 : memref<1x1x128xi32, #tpu.memory_space<hbm>> -> memref<128xi32, #tpu.memory_space<hbm>>
      tpu.enqueue_dma source(%dma_start3A_94 : memref<128xi32, #tpu.memory_space<hbm>>) target(%arg8 : memref<128xi32, #tpu.memory_space<vmem>>) target_semaphore(%arg16 : memref<!tpu.dma_semaphore, #tpu.memory_space<semaphore_mem>>)
      %add3A_95 = arith.constant 2 : i32
      %add3A_96 = arith.addi %mul3A_61, %add3A_95 : i32
      %dma_wait3A_97 = arith.constant 0 : i32
      %dma_wait3A_98 = tpu.memref_slice %arg3[%add3A, %add3A_96, %dma_wait3A_97] : memref<32x128x128xi32, #tpu.memory_space<hbm>> -> memref<1x1x128xi32, #tpu.memory_space<hbm>>
      %dma_wait3A_99 = tpu.memref_squeeze %dma_wait3A_98 : memref<1x1x128xi32, #tpu.memory_space<hbm>> -> memref<128xi32, #tpu.memory_space<hbm>>
      %dma_wait3A_100 = arith.constant 0 : i32
      %dma_wait3A_101 = tpu.memref_slice %arg3[%add3A, %add3A_96, %dma_wait3A_100] : memref<32x128x128xi32, #tpu.memory_space<hbm>> -> memref<1x1x128xi32, #tpu.memory_space<hbm>>
      %dma_wait3A_102 = tpu.memref_squeeze %dma_wait3A_101 : memref<1x1x128xi32, #tpu.memory_space<hbm>> -> memref<128xi32, #tpu.memory_space<hbm>>
      tpu.wait_dma2 semaphore(%arg15 : memref<!tpu.dma_semaphore, #tpu.memory_space<semaphore_mem>>) src(%dma_wait3A_102 : memref<128xi32, #tpu.memory_space<hbm>>) dst(%arg7 : memref<128xi32, #tpu.memory_space<vmem>>)
      %dma_start3A_103 = arith.constant 0 : i32
      %dma_start3A_104 = arith.constant 0 : i32
      %dma_start3A_105 = tpu.memref_slice %arg2[%dma_start3A_103, %dma_start3A_104] : memref<10000x128xf32, #tpu.memory_space<hbm>> -> memref<10000x128xf32, #tpu.memory_space<hbm>>
      tpu.enqueue_indirect_dma source(%dma_start3A_105 : memref<10000x128xf32, #tpu.memory_space<hbm>>) target(%arg10 : memref<128x128xf32, #tpu.memory_space<vmem>>) offsets(%arg7 : memref<128xi32, #tpu.memory_space<vmem>>) semaphore(%arg13 : memref<!tpu.dma_semaphore, #tpu.memory_space<semaphore_mem>>)
      %add3A_106 = arith.constant 1 : i32
      %add3A_107 = arith.addi %mul3A_61, %add3A_106 : i32
      "tpu.region"() ({
        %run_scoped3A_108 = tpu.sem_alloc : memref<!tpu.dma_semaphore, #tpu.memory_space<semaphore_mem>>
        %dma_start3A_109 = arith.constant 0 : i32
        %dma_start3A_110 = tpu.memref_slice %arg9[%add3A_107, %dma_start3A_109] : memref<128x128xi32, #tpu.memory_space<vmem>> -> memref<1x128xi32, #tpu.memory_space<vmem>>
        %dma_start3A_111 = tpu.memref_squeeze %dma_start3A_110 : memref<1x128xi32, #tpu.memory_space<vmem>> -> memref<128xi32, #tpu.memory_space<vmem>>
        %dma_start3A_112 = arith.constant 0 : i32
        %dma_start3A_113 = arith.constant 0 : i32
        %dma_start3A_114 = tpu.memref_slice %arg12[%dma_start3A_112, %dma_start3A_113] : memref<10112x128xf32, #tpu.memory_space<vmem_shared>> -> memref<10112x128xf32, #tpu.memory_space<vmem_shared>>
        tpu.enqueue_indirect_dma source(%arg11 : memref<128x128xf32, #tpu.memory_space<vmem>>) target(%dma_start3A_114 : memref<10112x128xf32, #tpu.memory_space<vmem_shared>>) offsets(%dma_start3A_111 : memref<128xi32, #tpu.memory_space<vmem>>) semaphore(%run_scoped3A_108 : memref<!tpu.dma_semaphore, #tpu.memory_space<semaphore_mem>>) {add = true}
        %dma_wait3A_115 = arith.constant 0 : i32
        %dma_wait3A_116 = tpu.memref_slice %arg9[%add3A_107, %dma_wait3A_115] : memref<128x128xi32, #tpu.memory_space<vmem>> -> memref<1x128xi32, #tpu.memory_space<vmem>>
        %dma_wait3A_117 = tpu.memref_squeeze %dma_wait3A_116 : memref<1x128xi32, #tpu.memory_space<vmem>> -> memref<128xi32, #tpu.memory_space<vmem>>
        %dma_wait3A_118 = arith.constant 0 : i32
        %dma_wait3A_119 = arith.constant 0 : i32
        %dma_wait3A_120 = tpu.memref_slice %arg12[%dma_wait3A_118, %dma_wait3A_119] : memref<10112x128xf32, #tpu.memory_space<vmem_shared>> -> memref<10112x128xf32, #tpu.memory_space<vmem_shared>>
        tpu.wait_indirect_dma semaphore(%run_scoped3A_108 : memref<!tpu.dma_semaphore, #tpu.memory_space<semaphore_mem>>) src(%arg11 : memref<128x128xf32, #tpu.memory_space<vmem>>) dst(%dma_wait3A_120 : memref<10112x128xf32, #tpu.memory_space<vmem_shared>>)
        tpu.yield
      }) : () -> ()
    }
    %sub3A_43 = arith.constant 1 : i32
    %sub3A_44 = arith.subi %select_n3A, %sub3A_43 : i32
    %dma_wait3A = arith.constant 0 : i32
    %dma_wait3A_45 = arith.constant 0 : i32
    %dma_wait3A_46 = tpu.memref_slice %arg2[%dma_wait3A, %dma_wait3A_45] : memref<10000x128xf32, #tpu.memory_space<hbm>> -> memref<10000x128xf32, #tpu.memory_space<hbm>>
    tpu.wait_indirect_dma semaphore(%arg13 : memref<!tpu.dma_semaphore, #tpu.memory_space<semaphore_mem>>) src(%dma_wait3A_46 : memref<10000x128xf32, #tpu.memory_space<hbm>>) dst(%arg10 : memref<128x128xf32, #tpu.memory_space<vmem>>)
    "tpu.region"() ({
      %run_scoped3A_59 = tpu.sem_alloc : memref<!tpu.dma_semaphore, #tpu.memory_space<semaphore_mem>>
      %dma_start3A_60 = arith.constant 0 : i32
      %dma_start3A_61 = tpu.memref_slice %arg9[%sub3A_44, %dma_start3A_60] : memref<128x128xi32, #tpu.memory_space<vmem>> -> memref<1x128xi32, #tpu.memory_space<vmem>>
      %dma_start3A_62 = tpu.memref_squeeze %dma_start3A_61 : memref<1x128xi32, #tpu.memory_space<vmem>> -> memref<128xi32, #tpu.memory_space<vmem>>
      %dma_start3A_63 = arith.constant 0 : i32
      %dma_start3A_64 = arith.constant 0 : i32
      %dma_start3A_65 = tpu.memref_slice %arg12[%dma_start3A_63, %dma_start3A_64] : memref<10112x128xf32, #tpu.memory_space<vmem_shared>> -> memref<10112x128xf32, #tpu.memory_space<vmem_shared>>
      tpu.enqueue_indirect_dma source(%arg10 : memref<128x128xf32, #tpu.memory_space<vmem>>) target(%dma_start3A_65 : memref<10112x128xf32, #tpu.memory_space<vmem_shared>>) offsets(%dma_start3A_62 : memref<128xi32, #tpu.memory_space<vmem>>) semaphore(%run_scoped3A_59 : memref<!tpu.dma_semaphore, #tpu.memory_space<semaphore_mem>>) {add = true}
      %dma_wait3A_66 = arith.constant 0 : i32
      %dma_wait3A_67 = tpu.memref_slice %arg9[%sub3A_44, %dma_wait3A_66] : memref<128x128xi32, #tpu.memory_space<vmem>> -> memref<1x128xi32, #tpu.memory_space<vmem>>
      %dma_wait3A_68 = tpu.memref_squeeze %dma_wait3A_67 : memref<1x128xi32, #tpu.memory_space<vmem>> -> memref<128xi32, #tpu.memory_space<vmem>>
      %dma_wait3A_69 = arith.constant 0 : i32
      %dma_wait3A_70 = arith.constant 0 : i32
      %dma_wait3A_71 = tpu.memref_slice %arg12[%dma_wait3A_69, %dma_wait3A_70] : memref<10112x128xf32, #tpu.memory_space<vmem_shared>> -> memref<10112x128xf32, #tpu.memory_space<vmem_shared>>
      tpu.wait_indirect_dma semaphore(%run_scoped3A_59 : memref<!tpu.dma_semaphore, #tpu.memory_space<semaphore_mem>>) src(%arg10 : memref<128x128xf32, #tpu.memory_space<vmem>>) dst(%dma_wait3A_71 : memref<10112x128xf32, #tpu.memory_space<vmem_shared>>)
      tpu.yield
    }) : () -> ()
    %dma_wait3A_47 = arith.constant 0 : i32
    %dma_wait3A_48 = arith.constant 0 : i32
    %dma_wait3A_49 = tpu.memref_slice %arg3[%add3A, %dma_wait3A_47, %dma_wait3A_48] : memref<32x128x128xi32, #tpu.memory_space<hbm>> -> memref<1x1x128xi32, #tpu.memory_space<hbm>>
    %dma_wait3A_50 = tpu.memref_squeeze %dma_wait3A_49 : memref<1x1x128xi32, #tpu.memory_space<hbm>> -> memref<128xi32, #tpu.memory_space<hbm>>
    %dma_wait3A_51 = arith.constant 0 : i32
    %dma_wait3A_52 = tpu.memref_slice %arg3[%add3A, %dma_wait3A_47, %dma_wait3A_51] : memref<32x128x128xi32, #tpu.memory_space<hbm>> -> memref<1x1x128xi32, #tpu.memory_space<hbm>>
    %dma_wait3A_53 = tpu.memref_squeeze %dma_wait3A_52 : memref<1x1x128xi32, #tpu.memory_space<hbm>> -> memref<128xi32, #tpu.memory_space<hbm>>
    tpu.wait_dma2 semaphore(%arg16 : memref<!tpu.dma_semaphore, #tpu.memory_space<semaphore_mem>>) src(%dma_wait3A_53 : memref<128xi32, #tpu.memory_space<hbm>>) dst(%arg8 : memref<128xi32, #tpu.memory_space<vmem>>)
    %barrier3A_54 = arith.constant 0 : index
    tpu.barrier barrier_id(%barrier3A_54)
    %mul3A_55 = arith.constant 632 : i32
    %mul3A_56 = arith.muli %arg1, %mul3A_55 : i32
    %mul3A_57 = arith.constant 632 : i32
    %mul3A_58 = arith.muli %arg1, %mul3A_57 : i32
    "tpu.region"() ({
      %run_scoped3A_59 = tpu.sem_alloc : memref<!tpu.dma_semaphore, #tpu.memory_space<semaphore_mem>>
      %dma_start3A_60 = arith.constant 0 : i32
      %dma_start3A_61 = tpu.memref_slice %arg6[%arg0, %mul3A_58, %dma_start3A_60] : memref<2x10112x128xf32, #tpu.memory_space<hbm>> -> memref<1x632x128xf32, #tpu.memory_space<hbm>>
      %dma_start3A_62 = tpu.memref_squeeze %dma_start3A_61 : memref<1x632x128xf32, #tpu.memory_space<hbm>> -> memref<632x128xf32, #tpu.memory_space<hbm>>
      %dma_start3A_63 = arith.constant 0 : i32
      %dma_start3A_64 = tpu.memref_slice %arg12[%mul3A_56, %dma_start3A_63] : memref<10112x128xf32, #tpu.memory_space<vmem_shared>> -> memref<632x128xf32, #tpu.memory_space<vmem_shared>>
      tpu.enqueue_dma source(%dma_start3A_64 : memref<632x128xf32, #tpu.memory_space<vmem_shared>>) target(%dma_start3A_62 : memref<632x128xf32, #tpu.memory_space<hbm>>) target_semaphore(%run_scoped3A_59 : memref<!tpu.dma_semaphore, #tpu.memory_space<semaphore_mem>>)
      %dma_wait3A_65 = arith.constant 0 : i32
      %dma_wait3A_66 = tpu.memref_slice %arg6[%arg0, %mul3A_58, %dma_wait3A_65] : memref<2x10112x128xf32, #tpu.memory_space<hbm>> -> memref<1x632x128xf32, #tpu.memory_space<hbm>>
      %dma_wait3A_67 = tpu.memref_squeeze %dma_wait3A_66 : memref<1x632x128xf32, #tpu.memory_space<hbm>> -> memref<632x128xf32, #tpu.memory_space<hbm>>
      %dma_wait3A_68 = arith.constant 0 : i32
      %dma_wait3A_69 = tpu.memref_slice %arg12[%mul3A_56, %dma_wait3A_68] : memref<10112x128xf32, #tpu.memory_space<vmem_shared>> -> memref<632x128xf32, #tpu.memory_space<vmem_shared>>
      tpu.wait_dma2 semaphore(%run_scoped3A_59 : memref<!tpu.dma_semaphore, #tpu.memory_space<semaphore_mem>>) src(%dma_wait3A_69 : memref<632x128xf32, #tpu.memory_space<vmem_shared>>) dst(%dma_wait3A_67 : memref<632x128xf32, #tpu.memory_space<hbm>>)
      tpu.yield
    }) : () -> ()
    return
  }
}

module attributes {stable_mosaic.version = 14 : i64} {
  func.func @_xs_body(%arg0: i32, %arg1: memref<2000x128xf32, #tpu.memory_space<vmem>>, %arg2: memref<128x128xf32, #tpu.memory_space<vmem>>, %arg3: memref<2x2000x128xf32, #tpu.memory_space<vmem>>, %arg4: memref<2000x128xf32, #tpu.memory_space<vmem>>) attributes {dimension_semantics = [#tpu.dimension_semantics<arbitrary>], iteration_bounds = array<i64: 5>, scalar_prefetch = 0 : i64, scratch_operands = 0 : i64, tpu.core_type = #tpu.core_type<tc>, window_params = [{transform_indices = @transform_0, window_bounds = array<i64: 2000, 128>}, {pipeline_mode = #tpu.pipeline_mode<synchronous>, transform_indices = @transform_1, window_bounds = array<i64: 128, 128>}, {transform_indices = @transform_2, window_bounds = array<i64: 2, 2000, 128>}, {transform_indices = @transform_3, window_bounds = array<i64: 2000, 128>}]} {
    %get3A = arith.constant 0 : index
    %get3A_0 = arith.constant 0 : index
    %get3A_1 = arith.constant 0 : index
    %get3A_2 = vector.load %arg3[%get3A, %get3A_0, %get3A_1] : memref<2x2000x128xf32, #tpu.memory_space<vmem>>, vector<1x2000x1xf32>
    %get3A_3 = vector.shape_cast %get3A_2 : vector<1x2000x1xf32> to vector<2000xf32>
    %get3A_4 = arith.constant 1 : index
    %get3A_5 = arith.constant 0 : index
    %get3A_6 = arith.constant 0 : index
    %get3A_7 = vector.load %arg3[%get3A_4, %get3A_5, %get3A_6] : memref<2x2000x128xf32, #tpu.memory_space<vmem>>, vector<1x2000x1xf32>
    %get3A_8 = vector.shape_cast %get3A_7 : vector<1x2000x1xf32> to vector<2000xf32>
    %add3A = arith.addf %get3A_3, %get3A_8 : vector<2000xf32>
    %add3A_9 = arith.constant 1.000000e+00 : f32
    %add3A_10 = vector.broadcast %add3A_9 : f32 to vector<2000xf32>
    %add3A_11 = arith.addf %add3A, %add3A_10 : vector<2000xf32>
    %max3A = arith.constant 9.99999996E-13 : f32
    %max3A_12 = vector.broadcast %max3A : f32 to vector<2000xf32>
    %max3A_13 = arith.maximumf %add3A_11, %max3A_12 : vector<2000xf32>
    %rsqrt3A = math.rsqrt %max3A_13 : vector<2000xf32>
    %get3A_14 = arith.constant 0 : index
    %get3A_15 = arith.constant 0 : index
    %get3A_16 = vector.load %arg1[%get3A_14, %get3A_15] : memref<2000x128xf32, #tpu.memory_space<vmem>>, vector<2000x128xf32>
    %get3A_17 = arith.constant 0 : index
    %get3A_18 = arith.constant 0 : index
    %get3A_19 = vector.load %arg2[%get3A_17, %get3A_18] : memref<128x128xf32, #tpu.memory_space<vmem>>, vector<128x128xf32>
    %dot_general3A = arith.constant dense<0.000000e+00> : vector<2000x128xf32>
    %dot_general3A_20 = tpu.matmul %get3A_16, %get3A_19, %dot_general3A {dimension_numbers = #tpu.dot_dimension_numbers<[1], [0], [0], [1], [0, 0, 1, 1], [], []>, transpose_lhs_hint = false} : vector<2000x128xf32>, vector<128x128xf32>, vector<2000x128xf32> -> vector<2000x128xf32>
    %broadcast_in_dim3A = vector.shape_cast %rsqrt3A : vector<2000xf32> to vector<2000x1xf32>
    %mul3A = vector.broadcast %broadcast_in_dim3A : vector<2000x1xf32> to vector<2000x128xf32>
    %mul3A_21 = arith.mulf %dot_general3A_20, %mul3A : vector<2000x128xf32>
    %swap3A = arith.constant 0 : index
    %swap3A_22 = arith.constant 0 : index
    %swap3A_23 = vector.load %arg4[%swap3A, %swap3A_22] : memref<2000x128xf32, #tpu.memory_space<vmem>>, vector<2000x128xf32>
    tpu.vector_store %arg4[%swap3A, %swap3A_22], %mul3A_21 {strides = array<i32>} : memref<2000x128xf32, #tpu.memory_space<vmem>>, vector<2000x128xf32>,
    return
  }
  func.func @transform_0(%arg0: i32) -> (i32, i32) {
    %c0_i32 = arith.constant 0 : i32
    %c0_i32_0 = arith.constant 0 : i32
    return %arg0, %c0_i32 : i32, i32
  }
  func.func @transform_1(%arg0: i32) -> (i32, i32) {
    %c0_i32 = arith.constant 0 : i32
    %c0_i32_0 = arith.constant 0 : i32
    %c0_i32_1 = arith.constant 0 : i32
    return %c0_i32, %c0_i32_0 : i32, i32
  }
  func.func @transform_2(%arg0: i32) -> (i32, i32, i32) {
    %c0_i32 = arith.constant 0 : i32
    %c0_i32_0 = arith.constant 0 : i32
    %c0_i32_1 = arith.constant 0 : i32
    return %c0_i32, %arg0, %c0_i32_0 : i32, i32, i32
  }
  func.func @transform_3(%arg0: i32) -> (i32, i32) {
    %c0_i32 = arith.constant 0 : i32
    %c0_i32_0 = arith.constant 0 : i32
    return %arg0, %c0_i32 : i32, i32
  }
}

module attributes {stable_mosaic.version = 14 : i64} {
  func.func @_h_stats_body(%arg0: i32, %arg1: memref<2x2000x128xf32, #tpu.memory_space<vmem>>, %arg2: memref<2000x128xf32, #tpu.memory_space<vmem>>, %arg3: memref<2x2000x128xf32, #tpu.memory_space<vmem>>, %arg4: memref<1x128xf32, #tpu.memory_space<vmem>>, %arg5: memref<2000x128xf32, #tpu.memory_space<vmem>>, %arg6: memref<2x128xf32, #tpu.memory_space<vmem>>, %arg7: memref<2x128xf32, #tpu.memory_space<vmem>>) attributes {dimension_semantics = [#tpu.dimension_semantics<arbitrary>], iteration_bounds = array<i64: 5>, scalar_prefetch = 0 : i64, scratch_operands = 1 : i64, tpu.core_type = #tpu.core_type<tc>, window_params = [{transform_indices = @transform_0, window_bounds = array<i64: 2, 2000, 128>}, {transform_indices = @transform_1, window_bounds = array<i64: 2000, 128>}, {transform_indices = @transform_2, window_bounds = array<i64: 2, 2000, 128>}, {pipeline_mode = #tpu.pipeline_mode<synchronous>, transform_indices = @transform_3, window_bounds = array<i64: 1, 128>}, {transform_indices = @transform_4, window_bounds = array<i64: 2000, 128>}, {pipeline_mode = #tpu.pipeline_mode<synchronous>, transform_indices = @transform_5, window_bounds = array<i64: 2, 128>}]} {
    %get3A = arith.constant 0 : index
    %get3A_0 = arith.constant 0 : index
    %get3A_1 = arith.constant 0 : index
    %get3A_2 = vector.load %arg3[%get3A, %get3A_0, %get3A_1] : memref<2x2000x128xf32, #tpu.memory_space<vmem>>, vector<1x2000x1xf32>
    %get3A_3 = vector.shape_cast %get3A_2 : vector<1x2000x1xf32> to vector<2000xf32>
    %get3A_4 = arith.constant 1 : index
    %get3A_5 = arith.constant 0 : index
    %get3A_6 = arith.constant 0 : index
    %get3A_7 = vector.load %arg3[%get3A_4, %get3A_5, %get3A_6] : memref<2x2000x128xf32, #tpu.memory_space<vmem>>, vector<1x2000x1xf32>
    %get3A_8 = vector.shape_cast %get3A_7 : vector<1x2000x1xf32> to vector<2000xf32>
    %add3A = arith.addf %get3A_3, %get3A_8 : vector<2000xf32>
    %add3A_9 = arith.constant 1.000000e+00 : f32
    %add3A_10 = vector.broadcast %add3A_9 : f32 to vector<2000xf32>
    %add3A_11 = arith.addf %add3A, %add3A_10 : vector<2000xf32>
    %max3A = arith.constant 9.99999996E-13 : f32
    %max3A_12 = vector.broadcast %max3A : f32 to vector<2000xf32>
    %max3A_13 = arith.maximumf %add3A_11, %max3A_12 : vector<2000xf32>
    %rsqrt3A = math.rsqrt %max3A_13 : vector<2000xf32>
    %get3A_14 = arith.constant 0 : index
    %get3A_15 = arith.constant 0 : index
    %get3A_16 = arith.constant 0 : index
    %get3A_17 = vector.load %arg1[%get3A_14, %get3A_15, %get3A_16] : memref<2x2000x128xf32, #tpu.memory_space<vmem>>, vector<1x2000x128xf32>
    %get3A_18 = vector.shape_cast %get3A_17 : vector<1x2000x128xf32> to vector<2000x128xf32>
    %get3A_19 = arith.constant 1 : index
    %get3A_20 = arith.constant 0 : index
    %get3A_21 = arith.constant 0 : index
    %get3A_22 = vector.load %arg1[%get3A_19, %get3A_20, %get3A_21] : memref<2x2000x128xf32, #tpu.memory_space<vmem>>, vector<1x2000x128xf32>
    %get3A_23 = vector.shape_cast %get3A_22 : vector<1x2000x128xf32> to vector<2000x128xf32>
    %add3A_24 = arith.addf %get3A_18, %get3A_23 : vector<2000x128xf32>
    %get3A_25 = arith.constant 0 : index
    %get3A_26 = arith.constant 0 : index
    %get3A_27 = vector.load %arg2[%get3A_25, %get3A_26] : memref<2000x128xf32, #tpu.memory_space<vmem>>, vector<2000x128xf32>
    %add3A_28 = arith.addf %add3A_24, %get3A_27 : vector<2000x128xf32>
    %broadcast_in_dim3A = vector.shape_cast %rsqrt3A : vector<2000xf32> to vector<2000x1xf32>
    %mul3A = vector.broadcast %broadcast_in_dim3A : vector<2000x1xf32> to vector<2000x128xf32>
    %mul3A_29 = arith.mulf %add3A_28, %mul3A : vector<2000x128xf32>
    %get3A_30 = arith.constant 0 : index
    %get3A_31 = arith.constant 0 : index
    %get3A_32 = vector.load %arg4[%get3A_30, %get3A_31] : memref<1x128xf32, #tpu.memory_space<vmem>>, vector<1x128xf32>
    %add3A_33 = vector.broadcast %get3A_32 : vector<1x128xf32> to vector<2000x128xf32>
    %add3A_34 = arith.addf %mul3A_29, %add3A_33 : vector<2000x128xf32>
    %swap3A = arith.constant 0 : index
    %swap3A_35 = arith.constant 0 : index
    %swap3A_36 = vector.load %arg5[%swap3A, %swap3A_35] : memref<2000x128xf32, #tpu.memory_space<vmem>>, vector<2000x128xf32>
    tpu.vector_store %arg5[%swap3A, %swap3A_35], %add3A_34 {strides = array<i32>} : memref<2000x128xf32, #tpu.memory_space<vmem>>, vector<2000x128xf32>,
    %eq3A = arith.constant 0 : i32
    %eq3A_37 = arith.cmpi eq, %arg0, %eq3A : i32
    %convert_element_type3A = arith.extui %eq3A_37 : i1 to i32
    %cond3A = arith.constant 0 : i32
    %cond3A_38 = arith.cmpi ne, %convert_element_type3A, %cond3A : i32
    scf.if %cond3A_38 {
      %broadcast_in_dim3A_64 = arith.constant 0.000000e+00 : f32
      %broadcast_in_dim3A_65 = vector.broadcast %broadcast_in_dim3A_64 : f32 to vector<2x128xf32>
      %swap3A_66 = arith.constant 0 : index
      %swap3A_67 = arith.constant 0 : index
      %swap3A_68 = vector.load %arg7[%swap3A_66, %swap3A_67] : memref<2x128xf32, #tpu.memory_space<vmem>>, vector<2x128xf32>
      tpu.vector_store %arg7[%swap3A_66, %swap3A_67], %broadcast_in_dim3A_65 {strides = array<i32>} : memref<2x128xf32, #tpu.memory_space<vmem>>, vector<2x128xf32>,
    } else {
    }
    %get3A_39 = arith.constant 0 : index
    %get3A_40 = arith.constant 0 : index
    %get3A_41 = vector.load %arg7[%get3A_39, %get3A_40] : memref<2x128xf32, #tpu.memory_space<vmem>>, vector<1x128xf32>
    %reduce_sum3A = arith.constant dense<0.000000e+00> : vector<128xf32>
    %reduce_sum3A_42 = vector.multi_reduction <add>, %add3A_34, %reduce_sum3A [0] : vector<2000x128xf32> to vector<128xf32>
    %broadcast_in_dim3A_43 = vector.shape_cast %reduce_sum3A_42 : vector<128xf32> to vector<1x128xf32>
    %add3A_44 = arith.addf %get3A_41, %broadcast_in_dim3A_43 : vector<1x128xf32>
    %swap3A_45 = arith.constant 0 : index
    %swap3A_46 = arith.constant 0 : index
    %swap3A_47 = vector.load %arg7[%swap3A_45, %swap3A_46] : memref<2x128xf32, #tpu.memory_space<vmem>>, vector<1x128xf32>
    tpu.vector_store %arg7[%swap3A_45, %swap3A_46], %add3A_44 {strides = array<i32>} : memref<2x128xf32, #tpu.memory_space<vmem>>, vector<1x128xf32>,
    %get3A_48 = arith.constant 1 : index
    %get3A_49 = arith.constant 0 : index
    %get3A_50 = vector.load %arg7[%get3A_48, %get3A_49] : memref<2x128xf32, #tpu.memory_space<vmem>>, vector<1x128xf32>
    %mul3A_51 = arith.mulf %add3A_34, %add3A_34 : vector<2000x128xf32>
    %reduce_sum3A_52 = arith.constant dense<0.000000e+00> : vector<128xf32>
    %reduce_sum3A_53 = vector.multi_reduction <add>, %mul3A_51, %reduce_sum3A_52 [0] : vector<2000x128xf32> to vector<128xf32>
    %broadcast_in_dim3A_54 = vector.shape_cast %reduce_sum3A_53 : vector<128xf32> to vector<1x128xf32>
    %add3A_55 = arith.addf %get3A_50, %broadcast_in_dim3A_54 : vector<1x128xf32>
    %swap3A_56 = arith.constant 1 : index
    %swap3A_57 = arith.constant 0 : index
    %swap3A_58 = vector.load %arg7[%swap3A_56, %swap3A_57] : memref<2x128xf32, #tpu.memory_space<vmem>>, vector<1x128xf32>
    tpu.vector_store %arg7[%swap3A_56, %swap3A_57], %add3A_55 {strides = array<i32>} : memref<2x128xf32, #tpu.memory_space<vmem>>, vector<1x128xf32>,
    %eq3A_59 = arith.constant 4 : i32
    %eq3A_60 = arith.cmpi eq, %arg0, %eq3A_59 : i32
    %convert_element_type3A_61 = arith.extui %eq3A_60 : i1 to i32
    %cond3A_62 = arith.constant 0 : i32
    %cond3A_63 = arith.cmpi ne, %convert_element_type3A_61, %cond3A_62 : i32
    scf.if %cond3A_63 {
      %get3A_64 = arith.constant 0 : index
      %get3A_65 = arith.constant 0 : index
      %get3A_66 = vector.load %arg7[%get3A_64, %get3A_65] : memref<2x128xf32, #tpu.memory_space<vmem>>, vector<1x128xf32>
      %div3A = arith.constant 1.000000e+04 : f32
      %div3A_67 = vector.broadcast %div3A : f32 to vector<1x128xf32>
      %div3A_68 = arith.divf %get3A_66, %div3A_67 : vector<1x128xf32>
      %get3A_69 = arith.constant 1 : index
      %get3A_70 = arith.constant 0 : index
      %get3A_71 = vector.load %arg7[%get3A_69, %get3A_70] : memref<2x128xf32, #tpu.memory_space<vmem>>, vector<1x128xf32>
      %div3A_72 = arith.constant 1.000000e+04 : f32
      %div3A_73 = vector.broadcast %div3A_72 : f32 to vector<1x128xf32>
      %div3A_74 = arith.divf %get3A_71, %div3A_73 : vector<1x128xf32>
      %mul3A_75 = arith.mulf %div3A_68, %div3A_68 : vector<1x128xf32>
      %sub3A = arith.subf %div3A_74, %mul3A_75 : vector<1x128xf32>
      %swap3A_76 = arith.constant 0 : index
      %swap3A_77 = arith.constant 0 : index
      %swap3A_78 = vector.load %arg6[%swap3A_76, %swap3A_77] : memref<2x128xf32, #tpu.memory_space<vmem>>, vector<1x128xf32>
      tpu.vector_store %arg6[%swap3A_76, %swap3A_77], %div3A_68 {strides = array<i32>} : memref<2x128xf32, #tpu.memory_space<vmem>>, vector<1x128xf32>,
      %add3A_79 = arith.constant 9.99999974E-6 : f32
      %add3A_80 = vector.broadcast %add3A_79 : f32 to vector<1x128xf32>
      %add3A_81 = arith.addf %sub3A, %add3A_80 : vector<1x128xf32>
      %rsqrt3A_82 = math.rsqrt %add3A_81 : vector<1x128xf32>
      %swap3A_83 = arith.constant 1 : index
      %swap3A_84 = arith.constant 0 : index
      %swap3A_85 = vector.load %arg6[%swap3A_83, %swap3A_84] : memref<2x128xf32, #tpu.memory_space<vmem>>, vector<1x128xf32>
      tpu.vector_store %arg6[%swap3A_83, %swap3A_84], %rsqrt3A_82 {strides = array<i32>} : memref<2x128xf32, #tpu.memory_space<vmem>>, vector<1x128xf32>,
    } else {
    }
    return
  }
  func.func @transform_0(%arg0: i32) -> (i32, i32, i32) {
    %c0_i32 = arith.constant 0 : i32
    %c0_i32_0 = arith.constant 0 : i32
    %c0_i32_1 = arith.constant 0 : i32
    return %c0_i32, %arg0, %c0_i32_0 : i32, i32, i32
  }
  func.func @transform_1(%arg0: i32) -> (i32, i32) {
    %c0_i32 = arith.constant 0 : i32
    %c0_i32_0 = arith.constant 0 : i32
    return %arg0, %c0_i32 : i32, i32
  }
  func.func @transform_2(%arg0: i32) -> (i32, i32, i32) {
    %c0_i32 = arith.constant 0 : i32
    %c0_i32_0 = arith.constant 0 : i32
    %c0_i32_1 = arith.constant 0 : i32
    return %c0_i32, %arg0, %c0_i32_0 : i32, i32, i32
  }
  func.func @transform_3(%arg0: i32) -> (i32, i32) {
    %c0_i32 = arith.constant 0 : i32
    %c0_i32_0 = arith.constant 0 : i32
    %c0_i32_1 = arith.constant 0 : i32
    return %c0_i32, %c0_i32_0 : i32, i32
  }
  func.func @transform_4(%arg0: i32) -> (i32, i32) {
    %c0_i32 = arith.constant 0 : i32
    %c0_i32_0 = arith.constant 0 : i32
    return %arg0, %c0_i32 : i32, i32
  }
  func.func @transform_5(%arg0: i32) -> (i32, i32) {
    %c0_i32 = arith.constant 0 : i32
    %c0_i32_0 = arith.constant 0 : i32
    %c0_i32_1 = arith.constant 0 : i32
    return %c0_i32, %c0_i32_0 : i32, i32
  }
}

module attributes {stable_mosaic.version = 14 : i64} {
  func.func @_mlp_body(%arg0: i32, %arg1: memref<2000x128xf32, #tpu.memory_space<vmem>>, %arg2: memref<2x128xf32, #tpu.memory_space<vmem>>, %arg3: memref<1x128xf32, #tpu.memory_space<vmem>>, %arg4: memref<1x128xf32, #tpu.memory_space<vmem>>, %arg5: memref<1x1xf32, #tpu.memory_space<vmem>>, %arg6: memref<128x512xf32, #tpu.memory_space<vmem>>, %arg7: memref<1x512xf32, #tpu.memory_space<vmem>>, %arg8: memref<1x1xf32, #tpu.memory_space<vmem>>, %arg9: memref<512x128xf32, #tpu.memory_space<vmem>>, %arg10: memref<1x128xf32, #tpu.memory_space<vmem>>, %arg11: memref<2000x128xf32, #tpu.memory_space<vmem>>) attributes {dimension_semantics = [#tpu.dimension_semantics<arbitrary>], iteration_bounds = array<i64: 5>, scalar_prefetch = 0 : i64, scratch_operands = 0 : i64, tpu.core_type = #tpu.core_type<tc>, window_params = [{transform_indices = @transform_0, window_bounds = array<i64: 2000, 128>}, {pipeline_mode = #tpu.pipeline_mode<synchronous>, transform_indices = @transform_1, window_bounds = array<i64: 2, 128>}, {pipeline_mode = #tpu.pipeline_mode<synchronous>, transform_indices = @transform_2, window_bounds = array<i64: 1, 128>}, {pipeline_mode = #tpu.pipeline_mode<synchronous>, transform_indices = @transform_3, window_bounds = array<i64: 1, 128>}, {pipeline_mode = #tpu.pipeline_mode<synchronous>, transform_indices = @transform_4, window_bounds = array<i64: 1, 1>}, {pipeline_mode = #tpu.pipeline_mode<synchronous>, transform_indices = @transform_5, window_bounds = array<i64: 128, 512>}, {pipeline_mode = #tpu.pipeline_mode<synchronous>, transform_indices = @transform_6, window_bounds = array<i64: 1, 512>}, {pipeline_mode = #tpu.pipeline_mode<synchronous>, transform_indices = @transform_7, window_bounds = array<i64: 1, 1>}, {pipeline_mode = #tpu.pipeline_mode<synchronous>, transform_indices = @transform_8, window_bounds = array<i64: 512, 128>}, {pipeline_mode = #tpu.pipeline_mode<synchronous>, transform_indices = @transform_9, window_bounds = array<i64: 1, 128>}, {transform_indices = @transform_10, window_bounds = array<i64: 2000, 128>}]} {
    %get3A = arith.constant 0 : index
    %get3A_0 = arith.constant 0 : index
    %get3A_1 = vector.load %arg1[%get3A, %get3A_0] : memref<2000x128xf32, #tpu.memory_space<vmem>>, vector<2000x128xf32>
    %get3A_2 = arith.constant 0 : index
    %get3A_3 = arith.constant 0 : index
    %get3A_4 = vector.load %arg2[%get3A_2, %get3A_3] : memref<2x128xf32, #tpu.memory_space<vmem>>, vector<1x128xf32>
    %sub3A = vector.broadcast %get3A_4 : vector<1x128xf32> to vector<2000x128xf32>
    %sub3A_5 = arith.subf %get3A_1, %sub3A : vector<2000x128xf32>
    %get3A_6 = arith.constant 1 : index
    %get3A_7 = arith.constant 0 : index
    %get3A_8 = vector.load %arg2[%get3A_6, %get3A_7] : memref<2x128xf32, #tpu.memory_space<vmem>>, vector<1x128xf32>
    %mul3A = vector.broadcast %get3A_8 : vector<1x128xf32> to vector<2000x128xf32>
    %mul3A_9 = arith.mulf %sub3A_5, %mul3A : vector<2000x128xf32>
    %get3A_10 = arith.constant 0 : index
    %get3A_11 = arith.constant 0 : index
    %get3A_12 = vector.load %arg3[%get3A_10, %get3A_11] : memref<1x128xf32, #tpu.memory_space<vmem>>, vector<1x128xf32>
    %mul3A_13 = vector.broadcast %get3A_12 : vector<1x128xf32> to vector<2000x128xf32>
    %mul3A_14 = arith.mulf %mul3A_9, %mul3A_13 : vector<2000x128xf32>
    %get3A_15 = arith.constant 0 : index
    %get3A_16 = arith.constant 0 : index
    %get3A_17 = vector.load %arg4[%get3A_15, %get3A_16] : memref<1x128xf32, #tpu.memory_space<vmem>>, vector<1x128xf32>
    %add3A = vector.broadcast %get3A_17 : vector<1x128xf32> to vector<2000x128xf32>
    %add3A_18 = arith.addf %mul3A_14, %add3A : vector<2000x128xf32>
    %get3A_19 = arith.constant 0 : index
    %get3A_20 = arith.constant 0 : index
    %get3A_21 = vector.load %arg5[%get3A_19, %get3A_20] : memref<1x1xf32, #tpu.memory_space<vmem>>, vector<1x1xf32>
    %get3A_22 = vector.extract %get3A_21[0, 0] : f32 from vector<1x1xf32>
    %ge3A = arith.constant 0.000000e+00 : f32
    %ge3A_23 = vector.broadcast %ge3A : f32 to vector<2000x128xf32>
    %ge3A_24 = arith.cmpf oge, %add3A_18, %ge3A_23 : vector<2000x128xf32>
    %mul3A_25 = vector.broadcast %get3A_22 : f32 to vector<2000x128xf32>
    %mul3A_26 = arith.mulf %mul3A_25, %add3A_18 : vector<2000x128xf32>
    %select_n3A = arith.select %ge3A_24, %add3A_18, %mul3A_26 : vector<2000x128xi1>, vector<2000x128xf32>
    %get3A_27 = arith.constant 0 : index
    %get3A_28 = arith.constant 0 : index
    %get3A_29 = vector.load %arg6[%get3A_27, %get3A_28] : memref<128x512xf32, #tpu.memory_space<vmem>>, vector<128x512xf32>
    %dot_general3A = arith.constant dense<0.000000e+00> : vector<2000x512xf32>
    %dot_general3A_30 = tpu.matmul %select_n3A, %get3A_29, %dot_general3A {dimension_numbers = #tpu.dot_dimension_numbers<[1], [0], [0], [1], [0, 0, 1, 1], [], []>, transpose_lhs_hint = false} : vector<2000x128xf32>, vector<128x512xf32>, vector<2000x512xf32> -> vector<2000x512xf32>
    %get3A_31 = arith.constant 0 : index
    %get3A_32 = arith.constant 0 : index
    %get3A_33 = vector.load %arg7[%get3A_31, %get3A_32] : memref<1x512xf32, #tpu.memory_space<vmem>>, vector<1x512xf32>
    %add3A_34 = vector.broadcast %get3A_33 : vector<1x512xf32> to vector<2000x512xf32>
    %add3A_35 = arith.addf %dot_general3A_30, %add3A_34 : vector<2000x512xf32>
    %get3A_36 = arith.constant 0 : index
    %get3A_37 = arith.constant 0 : index
    %get3A_38 = vector.load %arg8[%get3A_36, %get3A_37] : memref<1x1xf32, #tpu.memory_space<vmem>>, vector<1x1xf32>
    %get3A_39 = vector.extract %get3A_38[0, 0] : f32 from vector<1x1xf32>
    %ge3A_40 = arith.constant 0.000000e+00 : f32
    %ge3A_41 = vector.broadcast %ge3A_40 : f32 to vector<2000x512xf32>
    %ge3A_42 = arith.cmpf oge, %add3A_35, %ge3A_41 : vector<2000x512xf32>
    %mul3A_43 = vector.broadcast %get3A_39 : f32 to vector<2000x512xf32>
    %mul3A_44 = arith.mulf %mul3A_43, %add3A_35 : vector<2000x512xf32>
    %select_n3A_45 = arith.select %ge3A_42, %add3A_35, %mul3A_44 : vector<2000x512xi1>, vector<2000x512xf32>
    %get3A_46 = arith.constant 0 : index
    %get3A_47 = arith.constant 0 : index
    %get3A_48 = vector.load %arg9[%get3A_46, %get3A_47] : memref<512x128xf32, #tpu.memory_space<vmem>>, vector<512x128xf32>
    %dot_general3A_49 = arith.constant dense<0.000000e+00> : vector<2000x128xf32>
    %dot_general3A_50 = tpu.matmul %select_n3A_45, %get3A_48, %dot_general3A_49 {dimension_numbers = #tpu.dot_dimension_numbers<[1], [0], [0], [1], [0, 0, 1, 1], [], []>, transpose_lhs_hint = false} : vector<2000x512xf32>, vector<512x128xf32>, vector<2000x128xf32> -> vector<2000x128xf32>
    %get3A_51 = arith.constant 0 : index
    %get3A_52 = arith.constant 0 : index
    %get3A_53 = vector.load %arg10[%get3A_51, %get3A_52] : memref<1x128xf32, #tpu.memory_space<vmem>>, vector<1x128xf32>
    %add3A_54 = vector.broadcast %get3A_53 : vector<1x128xf32> to vector<2000x128xf32>
    %add3A_55 = arith.addf %dot_general3A_50, %add3A_54 : vector<2000x128xf32>
    %swap3A = arith.constant 0 : index
    %swap3A_56 = arith.constant 0 : index
    %swap3A_57 = vector.load %arg11[%swap3A, %swap3A_56] : memref<2000x128xf32, #tpu.memory_space<vmem>>, vector<2000x128xf32>
    tpu.vector_store %arg11[%swap3A, %swap3A_56], %add3A_55 {strides = array<i32>} : memref<2000x128xf32, #tpu.memory_space<vmem>>, vector<2000x128xf32>,
    return
  }
  func.func @transform_0(%arg0: i32) -> (i32, i32) {
    %c0_i32 = arith.constant 0 : i32
    %c0_i32_0 = arith.constant 0 : i32
    return %arg0, %c0_i32 : i32, i32
  }
  func.func @transform_1(%arg0: i32) -> (i32, i32) {
    %c0_i32 = arith.constant 0 : i32
    %c0_i32_0 = arith.constant 0 : i32
    %c0_i32_1 = arith.constant 0 : i32
    return %c0_i32, %c0_i32_0 : i32, i32
  }
  func.func @transform_2(%arg0: i32) -> (i32, i32) {
    %c0_i32 = arith.constant 0 : i32
    %c0_i32_0 = arith.constant 0 : i32
    %c0_i32_1 = arith.constant 0 : i32
    return %c0_i32, %c0_i32_0 : i32, i32
  }
  func.func @transform_3(%arg0: i32) -> (i32, i32) {
    %c0_i32 = arith.constant 0 : i32
    %c0_i32_0 = arith.constant 0 : i32
    %c0_i32_1 = arith.constant 0 : i32
    return %c0_i32, %c0_i32_0 : i32, i32
  }
  func.func @transform_4(%arg0: i32) -> (i32, i32) {
    %c0_i32 = arith.constant 0 : i32
    %c0_i32_0 = arith.constant 0 : i32
    %c0_i32_1 = arith.constant 0 : i32
    return %c0_i32, %c0_i32_0 : i32, i32
  }
  func.func @transform_5(%arg0: i32) -> (i32, i32) {
    %c0_i32 = arith.constant 0 : i32
    %c0_i32_0 = arith.constant 0 : i32
    %c0_i32_1 = arith.constant 0 : i32
    return %c0_i32, %c0_i32_0 : i32, i32
  }
  func.func @transform_6(%arg0: i32) -> (i32, i32) {
    %c0_i32 = arith.constant 0 : i32
    %c0_i32_0 = arith.constant 0 : i32
    %c0_i32_1 = arith.constant 0 : i32
    return %c0_i32, %c0_i32_0 : i32, i32
  }
  func.func @transform_7(%arg0: i32) -> (i32, i32) {
    %c0_i32 = arith.constant 0 : i32
    %c0_i32_0 = arith.constant 0 : i32
    %c0_i32_1 = arith.constant 0 : i32
    return %c0_i32, %c0_i32_0 : i32, i32
  }
  func.func @transform_8(%arg0: i32) -> (i32, i32) {
    %c0_i32 = arith.constant 0 : i32
    %c0_i32_0 = arith.constant 0 : i32
    %c0_i32_1 = arith.constant 0 : i32
    return %c0_i32, %c0_i32_0 : i32, i32
  }
  func.func @transform_9(%arg0: i32) -> (i32, i32) {
    %c0_i32 = arith.constant 0 : i32
    %c0_i32_0 = arith.constant 0 : i32
    %c0_i32_1 = arith.constant 0 : i32
    return %c0_i32, %c0_i32_0 : i32, i32
  }
  func.func @transform_10(%arg0: i32) -> (i32, i32) {
    %c0_i32 = arith.constant 0 : i32
    %c0_i32_0 = arith.constant 0 : i32
    return %arg0, %c0_i32 : i32, i32
  }
}

</mosaic_0001>

<sc_bundles>
// kernel: kernel.10.cloned.1.call-start
scs
__scs_entry_jumppad:
0x0: {  	(pc) =	sbr.rel $0x88, $3  }
0x1: {  	(tag) =	ssettag $0x0;
	lr =	simm.s32 $0x1  }
0x2: {  	[smem:$0x3F95] =	sst lr;
	_ =	strace $0xD0000000  }
0x3: {  	_ = 	snop  }
0x4: {  	_ = 	snop  }
0x5: {  	_ = 	snop  }
0x6: {  	_ = 	snop  }
0x7: {  	_ = 	snop  }
__scs_overlays_trampoline_lowered:
0x8: {  	[smem:$0x3FA4] =	sst s0  }
0x9: {  	[smem:$0x3FA5] =	sst s1  }
0xa: {  	[smem:$0x3FA6] =	sst s2  }
0xb: {  	[smem:$0x3FA7] =	sst s3  }
0xc: {  	[smem:$0x3FA8] =	sst s4  }
0xd: {  	[smem:$0x3FA9] =	sst s5  }
0xe: {  	[smem:$0x3FAA] =	sst s6  }
0xf: {  	[smem:$0x3FAB] =	sst s7  }
0x10: {  	[smem:$0x3FAC] =	sst s8  }
0x11: {  	[smem:$0x3FAD] =	sst s9;
	s0 =	simm.s32 @!p0 $0x0  }
0x12: {  	s1 =	sld [smem:$0x3F93];
	s0 =	simm.s32 @p0 $0x1  }
0x13: {  	[smem:$0x3FAE] =	sst s0;
	s0 =	simm.s32 @!p1 $0x0  }
0x14: {  	s2 =	sld [smem:$0x3F92];
	s0 =	simm.s32 @p1 $0x1  }
0x15: {  	[smem:$0x3FAF] =	sst s0;
	s0 =	simm.s32 @!p2 $0x0  }
0x16: {  	s3 =	sld [smem:$0x3FDB];
	s0 =	simm.s32 @p2 $0x1  }
0x17: {  	s4 =	simm.s32 $0x1BF5;
	[smem:$0x3FB1] =	sst s0  }
0x18: {  	s0 =	sld [smem:$0x3F94];
	_ =	swait.ge [sflag:s4], $0x0  }
0x19: {  	s7 =	sld [smem:$0x3F95]  }
0x1a: {  	s8 =	sadd.s32 $0xFFFFE003, lr  }
0x1b: {  	s9 =	sadd.s32 $0xFFFFFEF7, lr;
	s5 =	simm.s32 $0xFFFFFFFF;
	p2 =	slt.u32 s8, $0xFFFFF086  }
0x1c: {  	p1 =	slt.u32 s9, $0xF7A;
	s5 =	simm.s32 @!p2 $0x0  }
0x1d: {  	s5 =	simm.s32 @p1 $0x1;
	p0 =	seq.s32 s7, s2  }
0x1e: {  	s7 =	smul.u32 @!p0 $0xF7A, s2;
	p2 =	seq.s32 @!p0 s5, $0x0  }
0x1f: {  	s9 =	smul.u32 $0xF7A, s1;
	s8 =	simm.s32 @!p0 $0x1BF5;
	p2 =	por !p2, p0  }
0x20: {  	[sflag:s8] =	ssyncset.s32 @!p0 $0xFFFFF086;
	s6 =	sadd.s32 @!p0 s3, s7;
	s7 =	simm.s32 @!p0 $0x108  }
0x21: {  	s3 =	sadd.s32 s3, s9;
	s6 =	sadd.s32 @!p0 $0x88, s6;
	s7 =	simm.s32 @p2 $0x1082  }
0x22: {  	[simem:s7], [sflag:s8] =	dma.local @!p0 [hbm:s6], $0xF7A  }
0x23: {  	s9 =	sor.u32 $0xD0000000, s2;
	s6 =	simm.s32 $0x108;
	_ =	swait.ge @!p0 [sflag:s8], $0x0  }
0x24: {  	s3 =	sadd.s32 $0x88, s3;
	s6 =	simm.s32 @!p1 $0x1082;
	[sflag:s4] =	ssyncset.s32 $0xFFFFF086  }
0x25: {  	[simem:s6], [sflag:s4] =	dma.local [hbm:s3], $0xF7A  }
0x26: {  	[smem:$0x3F95] =	sst s1;
	(tag) =	ssettag s2;
	_ =	strace s9  }
0x27: {  	s1 =	sld [smem:$0x3FA5]  }
0x28: {  	s2 =	sld [smem:$0x3FA6]  }
0x29: {  	s4 =	sld [smem:$0x3FA8]  }
0x2a: {  	p0 =	seq.s32 s5, $0x0;
	s5 =	sld [smem:$0x3FA9]  }
0x2b: {  	s6 =	sld [smem:$0x3FAA]  }
0x2c: {  	s7 =	sld [smem:$0x3FAB]  }
0x2d: {  	s3 =	simm.s32 $0x108;
	s8 =	sld [smem:$0x3FAC]  }
0x2e: {  	s3 =	simm.s32 @!p0 $0x1082;
	s9 =	sld [smem:$0x3FAD]  }
0x2f: {  	lr =	sadd.s32 s0, s3;
	s0 =	sld [smem:$0x3FA4]  }
0x30: {  	s3 =	sld [smem:$0x3FA7]  }
0x31: {  	[smem:$0x3FB0] =	sst s10  }
0x32: {  	s10 =	sld [smem:$0x3FAE];
	_ =	sdelay $0x3  }
0x33: {  	p0 =	seq.s32 s10, $0x1;
	s10 =	sld [smem:$0x3FB0];
	_ =	sdelay $0x3  }
0x34: {  	[smem:$0x3FB0] =	sst s10  }
0x35: {  	s10 =	sld [smem:$0x3FAF];
	_ =	sdelay $0x3  }
0x36: {  	p1 =	seq.s32 s10, $0x1;
	s10 =	sld [smem:$0x3FB0];
	_ =	sdelay $0x3  }
0x37: {  	[smem:$0x3FB0] =	sst s10  }
0x38: {  	s10 =	sld [smem:$0x3FB1]  }
0x39: {  	_ = 	snop;
	(pc) =	sbr.ind lr, $3  }
0x3a: {  	_ = 	snop  }
0x3b: {  	_ = 	snop  }
0x3c: {  	p2 =	seq.s32 s10, $0x1;
	s10 =	sld [smem:$0x3FB0]  }
0x3d: {  	_ =	shalt  }
0x3e: {  	_ =	shalt  }
0x3f: {  	_ =	shalt  }
0x40: {  	_ =	shalt  }
0x41: {  	_ =	shalt  }
0x42: {  	_ =	shalt  }
0x43: {  	_ =	shalt  }
0x44: {  	_ =	shalt  }
0x45: {  	_ =	shalt  }
0x46: {  	_ =	shalt  }
0x47: {  	_ =	shalt  }
0x48: {  	_ =	shalt  }
0x49: {  	_ =	shalt  }
0x4a: {  	_ =	shalt  }
0x4b: {  	_ =	shalt  }
0x4c: {  	_ =	shalt  }
0x4d: {  	_ =	shalt  }
0x4e: {  	_ =	shalt  }
0x4f: {  	_ =	shalt  }
0x50: {  	_ =	shalt  }
0x51: {  	_ =	shalt  }
0x52: {  	_ =	shalt  }
0x53: {  	_ =	shalt  }
0x54: {  	_ =	shalt  }
0x55: {  	_ =	shalt  }
0x56: {  	_ =	shalt  }
0x57: {  	_ =	shalt  }
0x58: {  	_ =	shalt  }
0x59: {  	_ =	shalt  }
0x5a: {  	_ =	shalt  }
0x5b: {  	_ =	shalt  }
0x5c: {  	_ =	shalt  }
0x5d: {  	_ =	shalt  }
0x5e: {  	_ =	shalt  }
0x5f: {  	_ =	shalt  }
0x60: {  	_ =	shalt  }
0x61: {  	_ =	shalt  }
0x62: {  	_ =	shalt  }
0x63: {  	_ =	shalt  }
0x64: {  	_ =	shalt  }
0x65: {  	_ =	shalt  }
0x66: {  	_ =	shalt  }
0x67: {  	_ =	shalt  }
0x68: {  	_ =	shalt  }
0x69: {  	_ =	shalt  }
0x6a: {  	_ =	shalt  }
0x6b: {  	_ =	shalt  }
0x6c: {  	_ =	shalt  }
0x6d: {  	_ =	shalt  }
0x6e: {  	_ =	shalt  }
0x6f: {  	_ =	shalt  }
0x70: {  	_ =	shalt  }
0x71: {  	_ =	shalt  }
0x72: {  	_ =	shalt  }
0x73: {  	_ =	shalt  }
0x74: {  	_ =	shalt  }
0x75: {  	_ =	shalt  }
0x76: {  	_ =	shalt  }
0x77: {  	_ =	shalt  }
0x78: {  	_ =	shalt  }
0x79: {  	_ =	shalt  }
0x7a: {  	_ =	shalt  }
0x7b: {  	_ =	shalt  }
0x7c: {  	_ =	shalt  }
0x7d: {  	_ =	shalt  }
0x7e: {  	_ =	shalt  }
0x7f: {  	_ =	shalt  }
0x80: {  	_ =	shalt  }
0x81: {  	_ =	shalt  }
0x82: {  	_ =	shalt  }
0x83: {  	_ =	shalt  }
0x84: {  	_ =	shalt  }
0x85: {  	_ =	shalt  }
0x86: {  	_ =	shalt  }
0x87: {  	_ =	shalt  }
.Lfunc_end0:
.L_simem_size_0:
called_computation.1_lowered:
.L_overlay_start_0:
0x88: {  	s2 =	sld [smem:$0x3FD9]  }
0x89: {  	s3 =	sld [smem:$0x3FFE];
	_ =	sdelay $0x1  }
0x8a: {  	s1 =	srdreg.scid  }
0x8b: {  	s0 =	sand.u32 $0x1, s1  }
0x8c: {  	s17 =	sshll.u32 s0, $0xA;
	s2 =	sadd.s32 s3, s2  }
0x8d: {  	s2 =	sadd.s32 s2, s17  }
0x8e: {  	[smem:$0x3FBC] =	sst s2  }
0x8f: {  	_ = 	snop  }
0x90: {  	s2 =	sld [smem:$0x3FD0];
	(tm) =	ssettm $0x1  }
0x91: {  	s18 =	sld [smem:$0x3FFB];
	_ =	sdelay $0x3  }
0x92: {  	_ =	strace s18  }
0x93: {  	s3 =	sld [smem:$0x3FFC];
	_ =	sdelay $0x3  }
0x94: {  	_ =	strace s3  }
0x95: {  	s3 =	sld [smem:$0x3FFD];
	_ =	sdelay $0x3  }
0x96: {  	_ =	strace s3  }
0x97: {  	_ =	strace $0x8FFFFFFF  }
0x98: {  	s19 =	sld [smem:$0x3FDB];
	_ =	sdelay $0x1  }
0x99: {  	s4 =	simm.s32 $_scs_section_size  }
0x9a: {  	s5 =	simm.s32 $_size__tile_overlayer_lowered;
	s6 =	simm.s32 $_tile_overlayer_lowered  }
0x9b: {  	s22 =	simm.s32 $0x1BFF;
	s21 =	sshll.u32 s6, $0x1;
	s3 =	sadd.s32 s4, s19  }
0x9c: {  	s7 =	simm.s32 $0x0;
	s20 =	sshll.u32 s5, $0x1;
	s5 =	sadd.s32 s21, s3  }
0x9d: {  	[timem:s7], [sflag:s22] =	dma.local [hbm:s5], s20  }
0x9e: {  	_ =	swait.ge [sflag:s22], s20  }
0x9f: {  	s4 =	ssub.s32 $0x0, s20;
	[sflag:s22] =	ssyncset.done $0x0  }
0xa0: {  	[sflag:s22] =	ssyncadd.s32 s4;
	_ =	sdelay $0x1  }
0xa1: {  	s23 =	simm.s32 $0x1B8B  }
0xa2: {  	_ =	swait.ge [sflag:s23], $0x1  }
0xa3: {  	[sflag:s23] =	ssyncset.done $0x0  }
0xa4: {  	s25 =	simm.s32 $0x1B8E;
	s24 =	sld [smem:$0x3FFE];
	[sflag:s23] =	ssyncadd.s32 $0xFFFFFFFF  }
0xa5: {  	s26 =	simm.s32 $execute0_lowered;
	[smem:$0x3FD2] =	sst s25  }
0xa6: {  	s5 =	sshll.u32 s26, $0x1;
	_ =	strace $0x80000049;
	[dreg:$0x1] =	wrdreg $0xFFFFFFFF  }
0xa7: {  	s28 =	simm.s32 $_size_execute0_lowered;
	s3 =	sadd.s32 s3, s5;
	[dreg:$0x0] =	wrdreg $0x0  }
0xa8: {  	s5 =	sshll.u32 s28, $0x1;
	[dreg:$0x2] =	wrdreg s3  }
0xa9: {  	[dreg:$0x3] =	wrdreg s5  }
0xaa: {  	[dreg:$0x4] =	wrdreg $0xC0  }
0xab: {  	_ =	task [dreg:s7], $0x5FFFF  }
0xac: {  	[dreg:$0x1] =	wrdreg $0xFFFFFFFF  }
0xad: {  	[dreg:$0x0] =	wrdreg $0x60  }
0xae: {  	[dreg:$0x2] =	wrdreg s2  }
0xaf: {  	[dreg:$0x3] =	wrdreg s24  }
0xb0: {  	[dreg:$0x4] =	wrdreg $0xC1000  }
0xb1: {  	[dreg:$0x5] =	wrdreg $0x9  }
0xb2: {  	_ =	task.clear_ibuf [dreg:s7], $0x6FFFF;
	_ =	strace $0x90000049  }
0xb3: {  	s29 =	simm.s32 $0x9;
	_ =	strace $0x8000004B  }
0xb4: {  	_ =	swait.ge [sflag:s29], $0x1  }
0xb5: {  	[sflag:s29] =	ssyncadd.s32 $0xFFFFFFFF  }
0xb6: {  	_ =	strace $0x9000004B  }
0xb7: {  	_ =	sfence  }
0xb8: {  	s30 =	sld [smem:$0x0];
	_ =	sdelay $0x2  }
0xb9: {  	s31 =	sshll.u32 s1, $0xD;
	s1 =	sshrl.u32 s1, $0x2  }
0xba: {  	s3 =	sand.u32 $0x4000, s31;
	s1 =	sadd.s32 s1, s30  }
0xbb: {  	s0 =	sor.u32 s3, s0;
	s1 =	sshll.u32 s1, $0x11  }
0xbc: {  	s0 =	sor.u32 s1, s0  }
0xbd: {  	s0 =	sadd.s32 $0x8F2B, s0  }
0xbe: {  	[sflag:s0] =	ssyncadd.remote.s32 $0x1  }
0xbf: {  	_ =	sfence.sel $0xFFFF  }
0xc0: {  	[dreg:$0x0] =	wrdreg $0xFFFFFFFF;
	(pc) =	sbr.abs _section_cstart, $3  }
0xc1: {  	[dreg:$0x1] =	wrdreg $0xFFFFFFFF  }
0xc2: {  	_ =	task.clear_ibuf [dreg:s7], $0x2FFFF;
	_ =	strace $0x9FFFFFFF  }
0xc3: {  	(tm) =	ssettm $0x7FFFFFFF  }
tec
execute0_lowered:
.L_overlay_start_1:
0x0: {  	(tag) =	ssettag $0x1  }
0x1: {  	s1 =	rddreg [dreg:$0x0]  }
0x2: {  	s9 =	rddreg [dreg:$0x1]  }
0x3: {  	s3 =	rddreg [dreg:$0x2];
	s5 =	srdreg.scid  }
0x4: {  	s4 =	simm.s32 $0x0;
	s2 =	stileid.u32;
	s19 =	simm.s32 $0x80  }
0x5: {  	s20 =	simm.s32 $0x4100;
	s21 =	simm.s32 $0x1;
	s22 =	simm.s32 $0x4  }
0x6: {  	s23 =	simm.s32 $0x8100;
	s24 =	simm.s32 $0x2;
	s25 =	simm.s32 $0x3  }
0x7: {  	s26 =	simm.s32 $0x0;
	s8 =	sand.u32 $0x1, s5;
	s10 =	smul.u32 $0x13C00, s2  }
0x8: {  	s30 =	sshll.u32 s2, $0xF;
	[smem:$0x7FF] =	sst s4;
	s15 =	smul.u32 $0x4F000, s2  }
0x9: {  	s17 =	sshll.u32 s2, $0x6;
	s6 =	sshll.u32 s8, $0xE;
	s7 =	smul.u32 $0x13C000, s8  }
0xa: {  	_ =	strace $0x8000004A;
	s13 =	ssub.s32 $0x2, s8;
	p0 =	seq.s32 s8, $0x0  }
0xb: {  	s8 =	simm.s32 $0x3C00;
	s17 =	sor.u32 $0x1C05, s17;
	s5 =	sor.u32 s6, s30  }
0xc: {  	s6 =	sadd.s32 $0x54200, s9;
	s14 =	sshrl.u32 s13, $0x1;
	s8 =	simm.s32 @!p0 $0x1200  }
0xd: {  	s31 =	sshrl.u32 s15, $0x2;
	s15 =	simm.s32 $0x100;
	s11 =	sshrl.u32 s5, $0x3  }
0xe: {  	s10 =	sadd.s32 s10, s7;
	s7 =	sadd.s32 $0x2200, s9;
	s14 =	ssub.s32 s13, s14  }
0xf: {  	s18 =	sadd.s32 s31, s3;
	s12 =	sadd.s32 s11, s9;
	s10 =	sshrl.u32 s10, $0x3  }
0x10: {  	s14 =	smax.u32 s14, $0x1;
	s18 =	sshrl.u32 s18, $0x3;
	s16 =	sadd.s32 s10, s9  }
0x11: {  	s9 =	sadd.s32 $0x64200, s12;
	s10 =	sadd.s32 s6, s11;
	s12 =	sor.u32 $0x100, s8  }
0x12: {  	s11 =	sadd.s32 $0x10, s10;
	s13 =	sadd.s32 $0x74200, s16;
	s16 =	simm.s32 $0x5  }
.LBB2_1:
0x13: {  	[tilespmem:s15], [sflag:$0x5] =	stream.linear.gather [hbm4b:s9+s4], $0x4000, $0x38;
	[tilespmem:$0x1FD00] =	vst v63  }
0x14: {  	_ =	swait.ge [sflag:s16], $0x4000  }
0x15: {  	[sflag:s16] =	ssyncset.done $0x0  }
0x16: {  	[sflag:s16] =	ssyncadd.s32 $0xFFFFC000  }
0x17: {  	[tilespmem:s4], [sflag:$0x5] =	stream.linear.gather [hbm4b:s10+s4], $0x80, $0x38;
	[tilespmem:$0x1FD00] =	vst v63  }
0x18: {  	_ =	swait.ge [sflag:s16], $0x80  }
0x19: {  	[sflag:s16] =	ssyncset.done $0x0  }
0x1a: {  	[sflag:s16] =	ssyncadd.s32 $0xFFFFFF80  }
0x1b: {  	[spmem:s18], [sflag:s17] =	dma.local [hbm:s7], $0x2780  }
0x1c: {  	_ =	swait.ge [sflag:s16], $0x2780  }
0x1d: {  	[sflag:s16] =	ssyncset.done $0x0  }
0x1e: {  	s28 =	simm.s32 $0x100;
	[sflag:s16] =	ssyncadd.s32 $0xFFFFD880  }
0x1f: {  	[tilespmem:s20], [sflag:$0x1] =	stream.indirect.gather [hbm4b:s1+s19], $0x80, s4, s19, $0xb8;
	[tilespmem:$0x1FD00] =	vst v63  }
0x20: {  	s29 =	sand.u32 $0xFFFFFC00, s28  }
0x21: {  	[tilespmem:s19], [sflag:$0x4] =	stream.linear.gather [hbm4b:s11+s4], $0x80, $0x38;
	[tilespmem:$0x1FD00] =	vst v63  }
0x22: {  	s30 =	sand.u32 $0x300, s28;
	s29 =	sadd.s32 s5, s29;
	[bflag:$0x0] =	sbarrier.arrive $0xFFFF  }
0x23: {  	s29 =	sor.u32 s30, s29;
	_ =	swait.ge [sflag:s21], $0x4000  }
0x24: {  	s29 =	sshrl.u32 s29, $0x3;
	[sflag:s21] =	ssyncset.done $0x0  }
0x25: {  	s29 =	sadd.s32 s6, s29;
	[sflag:s21] =	ssyncadd.s32 $0xFFFFC000  }
0x26: {  	[tilespmem:s4], [sflag:$0x3] =	stream.linear.gather [hbm4b:s29+s4], $0x80, $0x38;
	[tilespmem:$0x1FD00] =	vst v63  }
0x27: {  	_ =	swait.ge [sflag:s22], $0x80  }
0x28: {  	[sflag:s22] =	ssyncset.done $0x0  }
0x29: {  	[sflag:s22] =	ssyncadd.s32 $0xFFFFFF80  }
0x2a: {  	[tilespmem:s23], [sflag:$0x2] =	stream.indirect.gather [hbm4b:s1+s19], $0x80, s19, s19, $0xb8;
	[tilespmem:$0x1FD00] =	vst v63  }
0x2b: {  	s29 =	simm.s32 $0x100  }
0x2c: {  	[spmem:s3] =	stream.indirect.scatter.add.f32 [tilespmem:s20], [sflag:$0x5], $0x80, s29, s19, $0xb8;
	[tilespmem:$0x1FD00] =	vst v63  }
0x2d: {  	s29 =	simm.s32 $0x180;
	_ =	swait.ge [sflag:s16], $0x4000  }
0x2e: {  	s31 =	sand.u32 $0xFFFFFC00, s29;
	[sflag:s16] =	ssyncset.done $0x0  }
0x2f: {  	s29 =	sand.u32 $0x380, s29;
	s30 =	sadd.s32 s5, s31;
	[sflag:s16] =	ssyncadd.s32 $0xFFFFC000  }
0x30: {  	s29 =	sor.u32 s29, s30;
	_ =	swait.ge [sflag:s24], $0x4000  }
0x31: {  	s29 =	sshrl.u32 s29, $0x3;
	[sflag:s24] =	ssyncset.done $0x0  }
0x32: {  	s29 =	sadd.s32 s6, s29;
	[sflag:s24] =	ssyncadd.s32 $0xFFFFC000  }
0x33: {  	[tilespmem:s19], [sflag:$0x4] =	stream.linear.gather [hbm4b:s29+s4], $0x80, $0x38;
	[tilespmem:$0x1FD00] =	vst v63  }
0x34: {  	p0 =	sne.s32 s8, $0x100;
	_ =	swait.ge [sflag:s25], $0x80  }
.Ltmp0:
0x35: {  	[sflag:s25] =	ssyncset.done $0x0;
	(pc) =	sbr.rel @!p0 .LBB2_3-.Ltmp0, $4  }
0x36: {  	[sflag:s25] =	ssyncadd.s32 $0xFFFFFF80  }
0x37: {  	[tilespmem:s20], [sflag:$0x1] =	stream.indirect.gather [hbm4b:s1+s19], $0x80, s4, s19, $0xb8;
	[tilespmem:$0x1FD00] =	vst v63  }
0x38: {  	s29 =	simm.s32 $0x180  }
0x39: {  	[spmem:s3] =	stream.indirect.scatter.add.f32 [tilespmem:s23], [sflag:$0x5], $0x80, s29, s19, $0xb8;
	[tilespmem:$0x1FD00] =	vst v63  }
.LBB2_2:
0x3a: {  	_ =	swait.ge [sflag:s16], $0x4000;
	s30 =	smov.u32 s28;
	s28 =	sadd.s32 $0x100, s28  }
0x3b: {  	s31 =	sand.u32 $0xFFFFFC00, s28;
	s0 =	sand.u32 $0x300, s28;
	[sflag:s16] =	ssyncset.done $0x0  }
0x3c: {  	p0 =	sne.s32 s8, s28;
	s31 =	sadd.s32 s5, s31;
	[sflag:s16] =	ssyncadd.s32 $0xFFFFC000  }
0x3d: {  	_ =	swait.ge [sflag:s21], $0x4000;
	s0 =	sor.u32 s0, s31  }
0x3e: {  	[sflag:s21] =	ssyncset.done $0x0;
	s0 =	sshrl.u32 s0, $0x3  }
0x3f: {  	[sflag:s21] =	ssyncadd.s32 $0xFFFFC000;
	s0 =	sadd.s32 s6, s0  }
0x40: {  	[tilespmem:s4], [sflag:$0x3] =	stream.linear.gather [hbm4b:s0+s4], $0x80, $0x38;
	[tilespmem:$0x1FD00] =	vst v63  }
0x41: {  	_ =	swait.ge [sflag:s22], $0x80  }
0x42: {  	[sflag:s22] =	ssyncset.done $0x0  }
0x43: {  	s29 =	sadd.s32 $0x100, s29;
	[sflag:s22] =	ssyncadd.s32 $0xFFFFFF80  }
0x44: {  	[tilespmem:s23], [sflag:$0x2] =	stream.indirect.gather [hbm4b:s1+s19], $0x80, s19, s19, $0xb8;
	[tilespmem:$0x1FD00] =	vst v63  }
0x45: {  	s0 =	sadd.s32 $0xFFFFFF80, s29  }
0x46: {  	[spmem:s3] =	stream.indirect.scatter.add.f32 [tilespmem:s20], [sflag:$0x5], $0x80, s0, s19, $0xb8;
	[tilespmem:$0x1FD00] =	vst v63  }
0x47: {  	s0 =	sadd.s32 $0x180, s30;
	_ =	swait.ge [sflag:s16], $0x4000  }
0x48: {  	s30 =	sand.u32 $0xFFFFFC00, s0;
	[sflag:s16] =	ssyncset.done $0x0  }
0x49: {  	s0 =	sand.u32 $0x380, s0;
	s30 =	sadd.s32 s5, s30;
	[sflag:s16] =	ssyncadd.s32 $0xFFFFC000  }
0x4a: {  	s0 =	sor.u32 s0, s30;
	_ =	swait.ge [sflag:s24], $0x4000  }
0x4b: {  	s0 =	sshrl.u32 s0, $0x3;
	[sflag:s24] =	ssyncset.done $0x0  }
0x4c: {  	s0 =	sadd.s32 s6, s0;
	[sflag:s24] =	ssyncadd.s32 $0xFFFFC000  }
0x4d: {  	[tilespmem:s19], [sflag:$0x4] =	stream.linear.gather [hbm4b:s0+s4], $0x80, $0x38;
	[tilespmem:$0x1FD00] =	vst v63  }
0x4e: {  	_ =	swait.ge [sflag:s25], $0x80  }
.Ltmp1:
0x4f: {  	[sflag:s25] =	ssyncset.done $0x0;
	(pc) =	sbr.rel @p0 .LBB2_2-.Ltmp1, $4  }
0x50: {  	[sflag:s25] =	ssyncadd.s32 $0xFFFFFF80  }
0x51: {  	[tilespmem:s20], [sflag:$0x1] =	stream.indirect.gather [hbm4b:s1+s19], $0x80, s4, s19, $0xb8;
	[tilespmem:$0x1FD00] =	vst v63  }
0x52: {  	_ = 	snop  }
0x53: {  	[spmem:s3] =	stream.indirect.scatter.add.f32 [tilespmem:s23], [sflag:$0x5], $0x80, s29, s19, $0xb8;
	[tilespmem:$0x1FD00] =	vst v63  }
.LBB2_3:
0x54: {  	_ =	swait.ge [sflag:s16], $0x4000  }
0x55: {  	[sflag:s16] =	ssyncset.done $0x0  }
0x56: {  	[sflag:s16] =	ssyncadd.s32 $0xFFFFC000  }
0x57: {  	_ =	swait.ge [sflag:s21], $0x4000  }
0x58: {  	[sflag:s21] =	ssyncset.done $0x0  }
0x59: {  	[sflag:s21] =	ssyncadd.s32 $0xFFFFC000  }
0x5a: {  	[spmem:s3] =	stream.indirect.scatter.add.f32 [tilespmem:s20], [sflag:$0x5], $0x80, s12, s19, $0xb8;
	[tilespmem:$0x1FD00] =	vst v63  }
0x5b: {  	_ =	swait.ge [sflag:s16], $0x4000  }
0x5c: {  	[sflag:s16] =	ssyncset.done $0x0  }
0x5d: {  	[sflag:s16] =	ssyncadd.s32 $0xFFFFC000  }
0x5e: {  	_ =	swait.ge [sflag:s22], $0x80  }
0x5f: {  	s26 =	sadd.s32 $0x1, s26;
	[sflag:s22] =	ssyncset.done $0x0  }
0x60: {  	p0 =	sne.s32 s26, s14;
	[sflag:s22] =	ssyncadd.s32 $0xFFFFFF80  }
.Ltmp2:
0x61: {  	[bflag:$0x0] =	sbarrier.arrive $0xFFFF;
	(pc) =	sbr.rel @p0 .LBB2_1-.Ltmp2, $4  }
0x62: {  	[hbm:s13], [sflag:s17] =	dma.local [spmem:s18], $0x2780  }
0x63: {  	_ =	swait.ge [sflag:s16], $0x2780  }
0x64: {  	[sflag:s16] =	ssyncset.done $0x0  }
0x65: {  	[sflag:s16] =	ssyncadd.s32 $0xFFFFD880  }
0x66: {  	_ =	sfence.sel $0x180000  }
0x67: {  	[bflag:$0x0] =	sbarrier.arrive $0xFFFF  }
0x68: {  	_ =	strace $0x9000004A  }
0x69: {  	[bflag:$0x2] =	sbarrier.arrive $0xFFFF  }
0x6a: {  	p0 =	sne.s32 s2, $0x0;
	s0 =	rddreg [dreg:$0x3]  }
0x6b: {  	s0 =	sadd.s32 @!p0 $0x100000, s0  }
0x6c: {  	[sflag:s0] =	ssyncadd.tile.s32 @!p0 $0x1;
	_ =	shalt  }
.Lfunc_end2:
_tile_overlayer_lowered:
.L_overlay_start_2:
0x6d: {  	(tag) =	ssettag $0x2  }
0x6e: {  	s0 =	rddreg [dreg:$0x0];
	s2 =	stileid.u32  }
0x6f: {  	s1 =	rddreg [dreg:$0x1];
	p0 =	sne.s32 s2, $0x0  }
0x70: {  	s3 =	rddreg [dreg:$0x2];
	[bflag:$0x3] =	sbarrier.arrive $0xFFFF;
	s2 =	simm.s32 @!p0 $0x1C05  }
0x71: {  	[timem:s3], [sflag:s2] =	dma.local @!p0 [hbm:s0], s1  }
0x72: {  	s0 =	simm.s32 @!p0 $0x5  }
0x73: {  	_ =	swait.ge @!p0 [sflag:s0], s1  }
0x74: {  	s1 =	ssub.s32 @!p0 $0x0, s1;
	[sflag:s0] =	ssyncset.done @!p0 $0x0  }
0x75: {  	[sflag:s0] =	ssyncadd.s32 @!p0 s1  }
0x76: {  	[bflag:$0x3] =	sbarrier.arrive $0xFFFF  }
0x77: {  	_ =	shalt  }

// kernel: kernel.7.cloned.1.call-start
scs
__scs_entry_jumppad:
0x0: {  	(pc) =	sbr.rel $0x88, $3  }
0x1: {  	(tag) =	ssettag $0x0;
	lr =	simm.s32 $0x1  }
0x2: {  	[smem:$0x3F95] =	sst lr;
	_ =	strace $0xD0000000  }
0x3: {  	_ = 	snop  }
0x4: {  	_ = 	snop  }
0x5: {  	_ = 	snop  }
0x6: {  	_ = 	snop  }
0x7: {  	_ = 	snop  }
__scs_overlays_trampoline_lowered:
0x8: {  	[smem:$0x3FA4] =	sst s0  }
0x9: {  	[smem:$0x3FA5] =	sst s1  }
0xa: {  	[smem:$0x3FA6] =	sst s2  }
0xb: {  	[smem:$0x3FA7] =	sst s3  }
0xc: {  	[smem:$0x3FA8] =	sst s4  }
0xd: {  	[smem:$0x3FA9] =	sst s5  }
0xe: {  	[smem:$0x3FAA] =	sst s6  }
0xf: {  	[smem:$0x3FAB] =	sst s7  }
0x10: {  	[smem:$0x3FAC] =	sst s8  }
0x11: {  	[smem:$0x3FAD] =	sst s9;
	s0 =	simm.s32 @!p0 $0x0  }
0x12: {  	s1 =	sld [smem:$0x3F93];
	s0 =	simm.s32 @p0 $0x1  }
0x13: {  	[smem:$0x3FAE] =	sst s0;
	s0 =	simm.s32 @!p1 $0x0  }
0x14: {  	s2 =	sld [smem:$0x3F92];
	s0 =	simm.s32 @p1 $0x1  }
0x15: {  	[smem:$0x3FAF] =	sst s0;
	s0 =	simm.s32 @!p2 $0x0  }
0x16: {  	s3 =	sld [smem:$0x3FDB];
	s0 =	simm.s32 @p2 $0x1  }
0x17: {  	s4 =	simm.s32 $0x1BF5;
	[smem:$0x3FB1] =	sst s0  }
0x18: {  	s0 =	sld [smem:$0x3F94];
	_ =	swait.ge [sflag:s4], $0x0  }
0x19: {  	s7 =	sld [smem:$0x3F95]  }
0x1a: {  	s8 =	sadd.s32 $0xFFFFE003, lr  }
0x1b: {  	s9 =	sadd.s32 $0xFFFFFEF7, lr;
	s5 =	simm.s32 $0xFFFFFFFF;
	p2 =	slt.u32 s8, $0xFFFFF086  }
0x1c: {  	p1 =	slt.u32 s9, $0xF7A;
	s5 =	simm.s32 @!p2 $0x0  }
0x1d: {  	s5 =	simm.s32 @p1 $0x1;
	p0 =	seq.s32 s7, s2  }
0x1e: {  	s7 =	smul.u32 @!p0 $0xF7A, s2;
	p2 =	seq.s32 @!p0 s5, $0x0  }
0x1f: {  	s9 =	smul.u32 $0xF7A, s1;
	s8 =	simm.s32 @!p0 $0x1BF5;
	p2 =	por !p2, p0  }
0x20: {  	[sflag:s8] =	ssyncset.s32 @!p0 $0xFFFFF086;
	s6 =	sadd.s32 @!p0 s3, s7;
	s7 =	simm.s32 @!p0 $0x108  }
0x21: {  	s3 =	sadd.s32 s3, s9;
	s6 =	sadd.s32 @!p0 $0x88, s6;
	s7 =	simm.s32 @p2 $0x1082  }
0x22: {  	[simem:s7], [sflag:s8] =	dma.local @!p0 [hbm:s6], $0xF7A  }
0x23: {  	s9 =	sor.u32 $0xD0000000, s2;
	s6 =	simm.s32 $0x108;
	_ =	swait.ge @!p0 [sflag:s8], $0x0  }
0x24: {  	s3 =	sadd.s32 $0x88, s3;
	s6 =	simm.s32 @!p1 $0x1082;
	[sflag:s4] =	ssyncset.s32 $0xFFFFF086  }
0x25: {  	[simem:s6], [sflag:s4] =	dma.local [hbm:s3], $0xF7A  }
0x26: {  	[smem:$0x3F95] =	sst s1;
	(tag) =	ssettag s2;
	_ =	strace s9  }
0x27: {  	s1 =	sld [smem:$0x3FA5]  }
0x28: {  	s2 =	sld [smem:$0x3FA6]  }
0x29: {  	s4 =	sld [smem:$0x3FA8]  }
0x2a: {  	p0 =	seq.s32 s5, $0x0;
	s5 =	sld [smem:$0x3FA9]  }
0x2b: {  	s6 =	sld [smem:$0x3FAA]  }
0x2c: {  	s7 =	sld [smem:$0x3FAB]  }
0x2d: {  	s3 =	simm.s32 $0x108;
	s8 =	sld [smem:$0x3FAC]  }
0x2e: {  	s3 =	simm.s32 @!p0 $0x1082;
	s9 =	sld [smem:$0x3FAD]  }
0x2f: {  	lr =	sadd.s32 s0, s3;
	s0 =	sld [smem:$0x3FA4]  }
0x30: {  	s3 =	sld [smem:$0x3FA7]  }
0x31: {  	[smem:$0x3FB0] =	sst s10  }
0x32: {  	s10 =	sld [smem:$0x3FAE];
	_ =	sdelay $0x3  }
0x33: {  	p0 =	seq.s32 s10, $0x1;
	s10 =	sld [smem:$0x3FB0];
	_ =	sdelay $0x3  }
0x34: {  	[smem:$0x3FB0] =	sst s10  }
0x35: {  	s10 =	sld [smem:$0x3FAF];
	_ =	sdelay $0x3  }
0x36: {  	p1 =	seq.s32 s10, $0x1;
	s10 =	sld [smem:$0x3FB0];
	_ =	sdelay $0x3  }
0x37: {  	[smem:$0x3FB0] =	sst s10  }
0x38: {  	s10 =	sld [smem:$0x3FB1]  }
0x39: {  	_ = 	snop;
	(pc) =	sbr.ind lr, $3  }
0x3a: {  	_ = 	snop  }
0x3b: {  	_ = 	snop  }
0x3c: {  	p2 =	seq.s32 s10, $0x1;
	s10 =	sld [smem:$0x3FB0]  }
0x3d: {  	_ =	shalt  }
0x3e: {  	_ =	shalt  }
0x3f: {  	_ =	shalt  }
0x40: {  	_ =	shalt  }
0x41: {  	_ =	shalt  }
0x42: {  	_ =	shalt  }
0x43: {  	_ =	shalt  }
0x44: {  	_ =	shalt  }
0x45: {  	_ =	shalt  }
0x46: {  	_ =	shalt  }
0x47: {  	_ =	shalt  }
0x48: {  	_ =	shalt  }
0x49: {  	_ =	shalt  }
0x4a: {  	_ =	shalt  }
0x4b: {  	_ =	shalt  }
0x4c: {  	_ =	shalt  }
0x4d: {  	_ =	shalt  }
0x4e: {  	_ =	shalt  }
0x4f: {  	_ =	shalt  }
0x50: {  	_ =	shalt  }
0x51: {  	_ =	shalt  }
0x52: {  	_ =	shalt  }
0x53: {  	_ =	shalt  }
0x54: {  	_ =	shalt  }
0x55: {  	_ =	shalt  }
0x56: {  	_ =	shalt  }
0x57: {  	_ =	shalt  }
0x58: {  	_ =	shalt  }
0x59: {  	_ =	shalt  }
0x5a: {  	_ =	shalt  }
0x5b: {  	_ =	shalt  }
0x5c: {  	_ =	shalt  }
0x5d: {  	_ =	shalt  }
0x5e: {  	_ =	shalt  }
0x5f: {  	_ =	shalt  }
0x60: {  	_ =	shalt  }
0x61: {  	_ =	shalt  }
0x62: {  	_ =	shalt  }
0x63: {  	_ =	shalt  }
0x64: {  	_ =	shalt  }
0x65: {  	_ =	shalt  }
0x66: {  	_ =	shalt  }
0x67: {  	_ =	shalt  }
0x68: {  	_ =	shalt  }
0x69: {  	_ =	shalt  }
0x6a: {  	_ =	shalt  }
0x6b: {  	_ =	shalt  }
0x6c: {  	_ =	shalt  }
0x6d: {  	_ =	shalt  }
0x6e: {  	_ =	shalt  }
0x6f: {  	_ =	shalt  }
0x70: {  	_ =	shalt  }
0x71: {  	_ =	shalt  }
0x72: {  	_ =	shalt  }
0x73: {  	_ =	shalt  }
0x74: {  	_ =	shalt  }
0x75: {  	_ =	shalt  }
0x76: {  	_ =	shalt  }
0x77: {  	_ =	shalt  }
0x78: {  	_ =	shalt  }
0x79: {  	_ =	shalt  }
0x7a: {  	_ =	shalt  }
0x7b: {  	_ =	shalt  }
0x7c: {  	_ =	shalt  }
0x7d: {  	_ =	shalt  }
0x7e: {  	_ =	shalt  }
0x7f: {  	_ =	shalt  }
0x80: {  	_ =	shalt  }
0x81: {  	_ =	shalt  }
0x82: {  	_ =	shalt  }
0x83: {  	_ =	shalt  }
0x84: {  	_ =	shalt  }
0x85: {  	_ =	shalt  }
0x86: {  	_ =	shalt  }
0x87: {  	_ =	shalt  }
.Lfunc_end0:
.L_simem_size_0:
called_computation_lowered:
.L_overlay_start_0:
0x88: {  	s2 =	sld [smem:$0x3FD9]  }
0x89: {  	s3 =	sld [smem:$0x3FFE];
	_ =	sdelay $0x1  }
0x8a: {  	s1 =	srdreg.scid  }
0x8b: {  	s0 =	sand.u32 $0x1, s1  }
0x8c: {  	s17 =	sshll.u32 s0, $0xA;
	s2 =	sadd.s32 s3, s2  }
0x8d: {  	s2 =	sadd.s32 s2, s17  }
0x8e: {  	[smem:$0x3FBC] =	sst s2  }
0x8f: {  	_ = 	snop  }
0x90: {  	s2 =	sld [smem:$0x3FD0];
	(tm) =	ssettm $0x1  }
0x91: {  	s18 =	sld [smem:$0x3FFB];
	_ =	sdelay $0x3  }
0x92: {  	_ =	strace s18  }
0x93: {  	s3 =	sld [smem:$0x3FFC];
	_ =	sdelay $0x3  }
0x94: {  	_ =	strace s3  }
0x95: {  	s3 =	sld [smem:$0x3FFD];
	_ =	sdelay $0x3  }
0x96: {  	_ =	strace s3  }
0x97: {  	_ =	strace $0x8FFFFFFF  }
0x98: {  	s19 =	sld [smem:$0x3FDB];
	_ =	sdelay $0x1  }
0x99: {  	s4 =	simm.s32 $_scs_section_size  }
0x9a: {  	s5 =	simm.s32 $_size__tile_overlayer_lowered;
	s6 =	simm.s32 $_tile_overlayer_lowered  }
0x9b: {  	s22 =	simm.s32 $0x1BFF;
	s21 =	sshll.u32 s6, $0x1;
	s3 =	sadd.s32 s4, s19  }
0x9c: {  	s7 =	simm.s32 $0x0;
	s20 =	sshll.u32 s5, $0x1;
	s5 =	sadd.s32 s21, s3  }
0x9d: {  	[timem:s7], [sflag:s22] =	dma.local [hbm:s5], s20  }
0x9e: {  	_ =	swait.ge [sflag:s22], s20  }
0x9f: {  	s4 =	ssub.s32 $0x0, s20;
	[sflag:s22] =	ssyncset.done $0x0  }
0xa0: {  	[sflag:s22] =	ssyncadd.s32 s4;
	_ =	sdelay $0x1  }
0xa1: {  	s23 =	simm.s32 $0x1B8B  }
0xa2: {  	_ =	swait.ge [sflag:s23], $0x1  }
0xa3: {  	[sflag:s23] =	ssyncset.done $0x0  }
0xa4: {  	s25 =	simm.s32 $0x1B8E;
	s24 =	sld [smem:$0x3FFE];
	[sflag:s23] =	ssyncadd.s32 $0xFFFFFFFF  }
0xa5: {  	s26 =	simm.s32 $execute0_lowered;
	[smem:$0x3FD2] =	sst s25  }
0xa6: {  	s5 =	sshll.u32 s26, $0x1;
	_ =	strace $0x80000046;
	[dreg:$0x1] =	wrdreg $0xFFFFFFFF  }
0xa7: {  	s28 =	simm.s32 $_size_execute0_lowered;
	s3 =	sadd.s32 s3, s5;
	[dreg:$0x0] =	wrdreg $0x0  }
0xa8: {  	s5 =	sshll.u32 s28, $0x1;
	[dreg:$0x2] =	wrdreg s3  }
0xa9: {  	[dreg:$0x3] =	wrdreg s5  }
0xaa: {  	[dreg:$0x4] =	wrdreg $0xC0  }
0xab: {  	_ =	task [dreg:s7], $0x5FFFF  }
0xac: {  	[dreg:$0x1] =	wrdreg $0xFFFFFFFF  }
0xad: {  	[dreg:$0x0] =	wrdreg $0x60  }
0xae: {  	[dreg:$0x2] =	wrdreg s2  }
0xaf: {  	[dreg:$0x3] =	wrdreg s24  }
0xb0: {  	[dreg:$0x4] =	wrdreg $0x68000  }
0xb1: {  	[dreg:$0x5] =	wrdreg $0x9  }
0xb2: {  	_ =	task.clear_ibuf [dreg:s7], $0x6FFFF;
	_ =	strace $0x90000046  }
0xb3: {  	s29 =	simm.s32 $0x9;
	_ =	strace $0x80000048  }
0xb4: {  	_ =	swait.ge [sflag:s29], $0x1  }
0xb5: {  	[sflag:s29] =	ssyncadd.s32 $0xFFFFFFFF  }
0xb6: {  	_ =	strace $0x90000048  }
0xb7: {  	_ =	sfence  }
0xb8: {  	s30 =	sld [smem:$0x0];
	_ =	sdelay $0x2  }
0xb9: {  	s31 =	sshll.u32 s1, $0xD;
	s1 =	sshrl.u32 s1, $0x2  }
0xba: {  	s3 =	sand.u32 $0x4000, s31;
	s1 =	sadd.s32 s1, s30  }
0xbb: {  	s0 =	sor.u32 s3, s0;
	s1 =	sshll.u32 s1, $0x11  }
0xbc: {  	s0 =	sor.u32 s1, s0  }
0xbd: {  	s0 =	sadd.s32 $0x8F2B, s0  }
0xbe: {  	[sflag:s0] =	ssyncadd.remote.s32 $0x1  }
0xbf: {  	_ =	sfence.sel $0xFFFF  }
0xc0: {  	[dreg:$0x0] =	wrdreg $0xFFFFFFFF;
	(pc) =	sbr.abs _section_cstart, $3  }
0xc1: {  	[dreg:$0x1] =	wrdreg $0xFFFFFFFF  }
0xc2: {  	_ =	task.clear_ibuf [dreg:s7], $0x2FFFF;
	_ =	strace $0x9FFFFFFF  }
0xc3: {  	(tm) =	ssettm $0x7FFFFFFF  }
tec
execute0_lowered:
.L_overlay_start_1:
0x0: {  	(tag) =	ssettag $0x1  }
0x1: {  	s6 =	rddreg [dreg:$0x0]  }
0x2: {  	s7 =	rddreg [dreg:$0x1]  }
0x3: {  	s1 =	rddreg [dreg:$0x2]  }
0x4: {  	s0 =	rddreg [dreg:$0x3];
	s3 =	simm.s32 $0x0;
	s2 =	srdreg.scid  }
0x5: {  	s13 =	simm.s32 $0x80;
	[smem:$0x7FF] =	sst s3;
	s8 =	sand.u32 $0x1, s2  }
0x6: {  	s14 =	simm.s32 $0x0;
	s2 =	stileid.u32;
	s9 =	smul.u32 $0x13C000, s8  }
0x7: {  	s4 =	sadd.s32 $0x4A00, s7;
	s5 =	sadd.s32 $0x2200, s7;
	s10 =	smul.u32 $0x13C00, s2  }
0x8: {  	_ =	strace $0x80000047;
	s11 =	sshll.u32 s2, $0x1;
	s29 =	smul.u32 $0x4F000, s2  }
0x9: {  	s31 =	sshll.u32 s2, $0x6;
	s28 =	sor.u32 s8, s11;
	s8 =	ssub.s32 $0x2, s8  }
0xa: {  	s9 =	sadd.s32 s10, s9;
	s10 =	smul.u32 $0x500, s28;
	s30 =	sshrl.u32 s8, $0x1  }
0xb: {  	s11 =	sshrl.u32 s29, $0x2;
	s9 =	sshrl.u32 s9, $0x3;
	s8 =	ssub.s32 s8, s30  }
0xc: {  	s12 =	sadd.s32 s11, s1;
	s11 =	sor.u32 $0x1C01, s31;
	s7 =	sadd.s32 s9, s7  }
0xd: {  	s6 =	sadd.s32 s6, s10;
	s8 =	smax.u32 s8, $0x1;
	s9 =	simm.s32 $0x1  }
0xe: {  	s10 =	simm.s32 $0x2800;
	s12 =	sshrl.u32 s12, $0x3;
	s7 =	sadd.s32 $0x5200, s7  }
.LBB2_1:
0xf: {  	[tilespmem:s3], [sflag:$0x1] =	stream.linear.gather [hbm4b:s6+s3], $0x2800, $0x38;
	[tilespmem:$0x1A400] =	vst v63  }
0x10: {  	_ =	swait.ge [sflag:s9], $0x2800  }
0x11: {  	[sflag:s9] =	ssyncset.done $0x0  }
0x12: {  	[sflag:s9] =	ssyncadd.s32 $0xFFFFD800  }
0x13: {  	[tilespmem:s10], [sflag:$0x1] =	stream.linear.gather [hbm4b:s4+s3], $0x4000, $0x38;
	[tilespmem:$0x1A400] =	vst v63  }
0x14: {  	_ =	swait.ge [sflag:s9], $0x4000  }
0x15: {  	[sflag:s9] =	ssyncset.done $0x0  }
0x16: {  	[sflag:s9] =	ssyncadd.s32 $0xFFFFC000  }
0x17: {  	[spmem:s12], [sflag:s11] =	dma.local [hbm:s5], $0x2780  }
0x18: {  	_ =	swait.ge [sflag:s9], $0x2780  }
0x19: {  	[sflag:s9] =	ssyncset.done $0x0  }
0x1a: {  	[sflag:s9] =	ssyncadd.s32 $0xFFFFD880  }
0x1b: {  	s15 =	simm.s32 $0x0;
	[bflag:$0x0] =	sbarrier.arrive $0xFFFF  }
0x1c: {  	[spmem:s1] =	stream.indirect.scatter.add.f32 [tilespmem:s10], [sflag:$0x1], $0x80, s15, s13, $0xb8;
	[tilespmem:$0x1A400] =	vst v63  }
0x1d: {  	_ =	swait.ge [sflag:s9], $0x4000  }
0x1e: {  	s15 =	simm.s32 $0x200;
	[sflag:s9] =	ssyncset.done $0x0  }
.LBB2_2:
0x1f: {  	s16 =	sshra.s32 s15, $0x2;
	[sflag:s9] =	ssyncadd.s32 $0xFFFFC000;
	p0 =	sne.s32 s15, $0x9C00  }
0x20: {  	[spmem:s1] =	stream.indirect.scatter.add.f32 [tilespmem:s10], [sflag:$0x1], $0x80, s16, s13, $0xb8;
	[tilespmem:$0x1A400] =	vst v63  }
.Ltmp0:
0x21: {  	_ = 	snop;
	(pc) =	sbr.rel @p0 .LBB2_2-.Ltmp0, $4  }
0x22: {  	_ = 	snop  }
0x23: {  	s15 =	sadd.s32 $0x200, s15  }
0x24: {  	_ =	swait.ge [sflag:s9], $0x4000  }
0x25: {  	[sflag:s9] =	ssyncset.done $0x0  }
0x26: {  	s14 =	sadd.s32 $0x1, s14  }
0x27: {  	[sflag:s9] =	ssyncadd.s32 $0xFFFFC000;
	p0 =	sne.s32 s14, s8  }
.Ltmp1:
0x28: {  	[bflag:$0x0] =	sbarrier.arrive $0xFFFF;
	(pc) =	sbr.rel @p0 .LBB2_1-.Ltmp1, $4  }
0x29: {  	[hbm:s7], [sflag:s11] =	dma.local [spmem:s12], $0x2780  }
0x2a: {  	_ =	swait.ge [sflag:s9], $0x2780  }
0x2b: {  	[sflag:s9] =	ssyncset.done $0x0  }
0x2c: {  	[sflag:s9] =	ssyncadd.s32 $0xFFFFD880  }
0x2d: {  	_ =	sfence.sel $0x180000  }
0x2e: {  	[bflag:$0x0] =	sbarrier.arrive $0xFFFF  }
0x2f: {  	p0 =	sne.s32 s2, $0x0;
	_ =	strace $0x90000047  }
0x30: {  	s0 =	sadd.s32 @!p0 $0x100000, s0;
	[bflag:$0x2] =	sbarrier.arrive $0xFFFF  }
0x31: {  	[sflag:s0] =	ssyncadd.tile.s32 @!p0 $0x1;
	_ =	shalt  }
.Lfunc_end2:
_tile_overlayer_lowered:
.L_overlay_start_2:
0x32: {  	(tag) =	ssettag $0x2  }
0x33: {  	s0 =	rddreg [dreg:$0x0];
	s2 =	stileid.u32  }
0x34: {  	s1 =	rddreg [dreg:$0x1];
	p0 =	sne.s32 s2, $0x0  }
0x35: {  	s3 =	rddreg [dreg:$0x2];
	[bflag:$0x3] =	sbarrier.arrive $0xFFFF;
	s2 =	simm.s32 @!p0 $0x1C01  }
0x36: {  	[timem:s3], [sflag:s2] =	dma.local @!p0 [hbm:s0], s1  }
0x37: {  	s0 =	simm.s32 @!p0 $0x1  }
0x38: {  	_ =	swait.ge @!p0 [sflag:s0], s1  }
0x39: {  	s1 =	ssub.s32 @!p0 $0x0, s1;
	[sflag:s0] =	ssyncset.done @!p0 $0x0  }
0x3a: {  	[sflag:s0] =	ssyncadd.s32 @!p0 s1  }
0x3b: {  	[bflag:$0x3] =	sbarrier.arrive $0xFFFF  }
0x3c: {  	_ =	shalt  }

</sc_bundles>
